<compile_context>
chip_gen: v7x
topology: tpu7x:2x2x1
jax: 0.10.2.dev20260603
libtpu: 0.0.44.dev20260713+nightly
codegen_flags: <defaults>
</compile_context>

<pallas_src>
import functools

import jax
import jax.numpy as jnp
from jax import lax
from jax.experimental import pallas as pl
from jax.experimental.pallas import tpu as pltpu
from jax.experimental.pallas import tpu_sc as plsc

DIM = 768
D_FF = 256
N_EXPERTS = 64
N_SHARED = 2
N_ROUTED = N_EXPERTS - N_SHARED
SHARED_FF = N_SHARED * D_FF
T = 4 * 2048

EP = 64
BT_R = 512
NB_R = T // BT_R
BT_G = 128
NT = (T + N_ROUTED * (BT_G - 1) + BT_G - 1) // BT_G
NTP = 128
P = NT * BT_G
BT_S = 512
NB_S = T // BT_S

_NC = 2
_NS = 16
_NW = _NC * _NS
_TPW = T // _NW
_CH = 128
_NCH = _TPW // _CH
_L = 16


def _sc_scatter_body(pos_hbm, x_hbm, xs_hbm, pos_v, rows_v, sem):
    wid = lax.axis_index("s") * _NC + lax.axis_index("c")
    base = wid * _TPW
    for c in range(_NCH):
        off = base + c * _CH
        pltpu.sync_copy(pos_hbm.at[pl.ds(off, _CH)], pos_v)
        pltpu.sync_copy(x_hbm.at[pl.ds(off, _CH)], rows_v)
        pltpu.async_copy(rows_v, xs_hbm.at[pos_v], sem).wait()


def _sc_gather_body(pos_hbm, src_hbm, out_hbm, pos_v, rows_v, sem):
    wid = lax.axis_index("s") * _NC + lax.axis_index("c")
    base = wid * _TPW
    for c in range(_NCH):
        off = base + c * _CH
        pltpu.sync_copy(pos_hbm.at[pl.ds(off, _CH)], pos_v)
        pltpu.async_copy(src_hbm.at[pos_v], rows_v, sem).wait()
        pltpu.sync_copy(rows_v, out_hbm.at[pl.ds(off, _CH)])


@functools.lru_cache(maxsize=1)
def _sc_kernels():
    scratch = [
        pltpu.VMEM((_CH,), jnp.int32),
        pltpu.VMEM((_CH, DIM), jnp.float32),
        pltpu.SemaphoreType.DMA,
    ]
    mesh = plsc.VectorSubcoreMesh(core_axis_name="c", subcore_axis_name="s")
    scatter = functools.partial(
        pl.kernel, mesh=mesh,
        out_type=jax.ShapeDtypeStruct((P, DIM), jnp.float32),
        scratch_types=scratch,
    )(_sc_scatter_body)
    gather = functools.partial(
        pl.kernel, mesh=mesh,
        out_type=jax.ShapeDtypeStruct((T, DIM), jnp.float32),
        scratch_types=scratch,
    )(_sc_gather_body)
    return scatter, gather


def _sc_scatter(pos, xf):
    return _sc_kernels()[0](pos, xf)


def _sc_gather(pos, src):
    return _sc_kernels()[1](pos, src)


def _router_body(x_ref, wg_ref, eid_ref, gate_ref, rank_ref, starts_ref,
                 te_ref, cnt):
    pid = pl.program_id(0)

    @pl.when(pid == 0)
    def _():
        cnt[...] = jnp.zeros_like(cnt)

    x = x_ref[...]
    logits = jnp.dot(x, wg_ref[...], preferred_element_type=jnp.float32)
    col = jax.lax.broadcasted_iota(jnp.int32, logits.shape, 1)
    logits = jnp.where(col < N_ROUTED, logits, -1e30)
    m = jnp.max(logits, axis=1, keepdims=True)
    ssum = jnp.sum(jnp.exp(logits - m), axis=1)
    eid = jnp.min(jnp.where(logits == m, col, EP), axis=1)
    onehot = (col == eid[:, None]).astype(jnp.float32)
    row_i = jax.lax.broadcasted_iota(jnp.int32, (BT_R, BT_R), 0)
    col_i = jax.lax.broadcasted_iota(jnp.int32, (BT_R, BT_R), 1)
    tri = (row_i >= col_i).astype(jnp.float32)
    csum = jnp.dot(tri, onehot, preferred_element_type=jnp.float32)
    rank_in_blk = jnp.sum(onehot * csum, axis=1) - 1.0
    prev = jnp.sum(onehot * cnt[0:1, :], axis=1)
    eid_ref[0, 0, :] = eid
    gate_ref[0, 0, :] = 1.0 / ssum
    rank_ref[0, 0, :] = (prev + rank_in_blk).astype(jnp.int32)
    cnt[0:1, :] = cnt[0:1, :] + csum[BT_R - 1:BT_R, :]

    @pl.when(pid == NB_R - 1)
    def _():
        c = cnt[0:1, :]
        padded = jnp.floor((c + (BT_G - 1)) * (1.0 / BT_G)) * BT_G
        r64 = jax.lax.broadcasted_iota(jnp.int32, (EP, EP), 0)
        c64 = jax.lax.broadcasted_iota(jnp.int32, (EP, EP), 1)
        excl = (r64 < c64).astype(jnp.float32)
        incl = (r64 <= c64).astype(jnp.float32)
        starts = jnp.dot(padded, excl, preferred_element_type=jnp.float32)
        tiles_cum = jnp.dot(padded * (1.0 / BT_G), incl,
                            preferred_element_type=jnp.float32)
        starts_ref[...] = jnp.broadcast_to(starts, (8, EP))
        tc_b = jax.lax.broadcast_in_dim(tiles_cum.reshape(EP), (EP, NTP), (0,))
        e_b = jax.lax.broadcasted_iota(jnp.int32, (EP, NTP), 0)
        j_b = jax.lax.broadcasted_iota(jnp.int32, (EP, NTP), 1)
        hit = jnp.where((tc_b <= j_b.astype(jnp.float32)) & (e_b < N_ROUTED),
                        1.0, 0.0)
        te = jnp.minimum(jnp.sum(hit, axis=0), float(N_ROUTED - 1))
        te_ref[...] = jnp.broadcast_to(te[None, :], (8, NTP)).astype(jnp.int32)


def _pos_body(eid_ref, rank_ref, starts_ref, pos_ref):
    eid = eid_ref[0, 0, :]
    onehot = (jax.lax.broadcasted_iota(jnp.int32, (BT_R, EP), 1)
              == eid[:, None]).astype(jnp.float32)
    st = jnp.sum(onehot * starts_ref[0:1, :], axis=1)
    pos_ref[0, 0, :] = st.astype(jnp.int32) + rank_ref[0, 0, :]


def _moe_body(te_ref, xs_ref, w1_ref, w3_ref, w2_ref, out_ref):
    del te_ref
    x = xs_ref[...]
    w1 = w1_ref[0]
    w3 = w3_ref[0]
    w2 = w2_ref[0]
    dn = (((1,), (1,)), ((), ()))
    a = jax.lax.dot_general(x, w1, dn, preferred_element_type=jnp.float32)
    b = jax.lax.dot_general(x, w3, dn, preferred_element_type=jnp.float32)
    h = a * jax.lax.logistic(a) * b
    out_ref[...] = jax.lax.dot_general(h, w2, dn,
                                       preferred_element_type=jnp.float32)


def _shared_body(x_ref, w1_ref, w3_ref, w2_ref, yg_ref, gw_ref, out_ref):
    x = x_ref[...]
    dn = (((1,), (1,)), ((), ()))
    a = jax.lax.dot_general(x, w1_ref[...], dn,
                            preferred_element_type=jnp.float32)
    b = jax.lax.dot_general(x, w3_ref[...], dn,
                            preferred_element_type=jnp.float32)
    h = a * jax.lax.logistic(a) * b
    z = jax.lax.dot_general(h, w2_ref[...], dn,
                            preferred_element_type=jnp.float32)
    w = gw_ref[0, 0, :]
    out_ref[...] = z + yg_ref[...] * w[:, None]


def kernel(x, Wg, We1, We3, We2, Ws1, Ws3, Ws2):
    shape = x.shape
    xf = x.reshape(T, DIM)
    wg_pad = jnp.pad(Wg, ((0, 0), (0, EP - N_ROUTED)))

    eid3, gate3, rank3, starts, tile_expert = pl.pallas_call(
        _router_body,
        grid=(NB_R,),
        in_specs=[
            pl.BlockSpec((BT_R, DIM), lambda i: (i, 0)),
            pl.BlockSpec((DIM, EP), lambda i: (0, 0)),
        ],
        out_specs=[
            pl.BlockSpec((1, 1, BT_R), lambda i: (i, 0, 0)),
            pl.BlockSpec((1, 1, BT_R), lambda i: (i, 0, 0)),
            pl.BlockSpec((1, 1, BT_R), lambda i: (i, 0, 0)),
            pl.BlockSpec((8, EP), lambda i: (0, 0)),
            pl.BlockSpec((8, NTP), lambda i: (0, 0)),
        ],
        out_shape=[
            jax.ShapeDtypeStruct((NB_R, 1, BT_R), jnp.int32),
            jax.ShapeDtypeStruct((NB_R, 1, BT_R), jnp.float32),
            jax.ShapeDtypeStruct((NB_R, 1, BT_R), jnp.int32),
            jax.ShapeDtypeStruct((8, EP), jnp.float32),
            jax.ShapeDtypeStruct((8, NTP), jnp.int32),
        ],
        scratch_shapes=[pltpu.VMEM((1, EP), jnp.float32)],
    )(xf, wg_pad)

    pos3 = pl.pallas_call(
        _pos_body,
        grid=(NB_R,),
        in_specs=[
            pl.BlockSpec((1, 1, BT_R), lambda i: (i, 0, 0)),
            pl.BlockSpec((1, 1, BT_R), lambda i: (i, 0, 0)),
            pl.BlockSpec((8, EP), lambda i: (0, 0)),
        ],
        out_specs=pl.BlockSpec((1, 1, BT_R), lambda i: (i, 0, 0)),
        out_shape=jax.ShapeDtypeStruct((NB_R, 1, BT_R), jnp.int32),
    )(eid3, rank3, starts)
    pos = pos3.reshape(T)

    xs = _sc_scatter(pos, xf)

    out_padded = pl.pallas_call(
        _moe_body,
        grid_spec=pltpu.PrefetchScalarGridSpec(
            num_scalar_prefetch=1,
            grid=(NT,),
            in_specs=[
                pl.BlockSpec((BT_G, DIM), lambda j, te: (j, 0)),
                pl.BlockSpec((1, D_FF, DIM), lambda j, te: (te[0, j], 0, 0)),
                pl.BlockSpec((1, D_FF, DIM), lambda j, te: (te[0, j], 0, 0)),
                pl.BlockSpec((1, DIM, D_FF), lambda j, te: (te[0, j], 0, 0)),
            ],
            out_specs=pl.BlockSpec((BT_G, DIM), lambda j, te: (j, 0)),
        ),
        out_shape=jax.ShapeDtypeStruct((P, DIM), jnp.float32),
    )(tile_expert, xs, We1, We3, We2)

    yg = _sc_gather(pos, out_padded)

    out = pl.pallas_call(
        _shared_body,
        grid=(NB_S,),
        in_specs=[
            pl.BlockSpec((BT_S, DIM), lambda i: (i, 0)),
            pl.BlockSpec((SHARED_FF, DIM), lambda i: (0, 0)),
            pl.BlockSpec((SHARED_FF, DIM), lambda i: (0, 0)),
            pl.BlockSpec((DIM, SHARED_FF), lambda i: (0, 0)),
            pl.BlockSpec((BT_S, DIM), lambda i: (i, 0)),
            pl.BlockSpec((1, 1, BT_S), lambda i: (i, 0, 0)),
        ],
        out_specs=pl.BlockSpec((BT_S, DIM), lambda i: (i, 0)),
        out_shape=jax.ShapeDtypeStruct((T, DIM), jnp.float32),
    )(xf, Ws1, Ws3, Ws2, yg, gate3)

    return out.reshape(shape)

# --- scband reference (transcript-rebuilt; emitter-appended) ---
"""Pipeline reference for scband-mo-e-10333691314728 (READ-ONLY COPY).

The authoritative reference and input builder live on the scoring server;
editing this copy changes nothing except your own understanding.
"""

import jax, jax.numpy as jnp
import numpy as np

DIM = 768
D_FF = 256
N_EXPERTS = 64
N_SHARED = 2
N_ROUTED = N_EXPERTS - N_SHARED  # 62
TOP_K = 1
SHARED_FF = N_SHARED * D_FF  # 512
B, S = 4, 2048


def setup_inputs(seed: int = 0) -> dict:
    key = jax.random.key(seed)
    ks = jax.random.split(key, 8)
    x = jax.random.normal(ks[0], (B, S, DIM), dtype=jnp.float32)
    Wg = jax.random.normal(ks[1], (DIM, N_ROUTED), dtype=jnp.float32) * 0.02
    We1 = jax.random.normal(ks[2], (N_ROUTED, D_FF, DIM), dtype=jnp.float32) * 0.02
    We3 = jax.random.normal(ks[3], (N_ROUTED, D_FF, DIM), dtype=jnp.float32) * 0.02
    We2 = jax.random.normal(ks[4], (N_ROUTED, DIM, D_FF), dtype=jnp.float32) * 0.02
    Ws1 = jax.random.normal(ks[5], (SHARED_FF, DIM), dtype=jnp.float32) * 0.02
    Ws3 = jax.random.normal(ks[6], (SHARED_FF, DIM), dtype=jnp.float32) * 0.02
    Ws2 = jax.random.normal(ks[7], (DIM, SHARED_FF), dtype=jnp.float32) * 0.02
    return {"x": x, "Wg": Wg, "We1": We1, "We3": We3, "We2": We2,
            "Ws1": Ws1, "Ws3": Ws3, "Ws2": Ws2}


def reference(x, Wg, We1, We3, We2, Ws1, Ws3, Ws2):
    shape = x.shape
    xf = x.reshape(-1, DIM)
    # gate: softmax over routed experts, then top-k (DeepSeek-style)
    scores = jax.nn.softmax(xf @ Wg, axis=-1)
    weights, indices = jax.lax.top_k(scores, TOP_K)  # [T, k], [T, k]
    y = jnp.zeros_like(xf)
    for i in range(N_ROUTED):
        wi = jnp.sum(weights * (indices == i).astype(weights.dtype), axis=-1)
        h = jax.nn.silu(xf @ We1[i].T) * (xf @ We3[i].T)
        out = h @ We2[i].T
        y = y + out * wi[:, None]
    # shared experts applied to all tokens
    z = (jax.nn.silu(xf @ Ws1.T) * (xf @ Ws3.T)) @ Ws2.T
    hidden_states = (y + z).reshape(shape)
    return hidden_states

if __name__ == "__main__":
    import jax
    _d = setup_inputs()
    print(jax.jit(kernel)(*tuple(_d.values())))

</pallas_src>

<mosaic_0001>
#map = affine_map<(d0, d1) -> (0)>
#map1 = affine_map<(d0, d1) -> (0, 0)>
module attributes {stable_mosaic.version = 14 : i64} {
  func.func @_sc_gather_body(%arg0: i32, %arg1: i32, %arg2: memref<8192xi32, #tpu.memory_space<hbm>>, %arg3: memref<16128x768xf32, #tpu.memory_space<hbm>>, %arg4: memref<8192x768xf32, #tpu.memory_space<hbm>>, %arg5: memref<128xi32, #tpu.memory_space<vmem>>, %arg6: memref<128x768xf32, #tpu.memory_space<vmem>>, %arg7: memref<!tpu.dma_semaphore, #tpu.memory_space<semaphore_mem>>) attributes {dimension_semantics = [#tpu.dimension_semantics<core_parallel>, #tpu.dimension_semantics<subcore_parallel>], iteration_bounds = array<i64: 2, 16>, scalar_prefetch = 0 : i64, scratch_operands = 3 : i64, tpu.core_type = #tpu.core_type<sc_vector_subcore>, window_params = [{transform_indices = #map}, {transform_indices = #map1}, {transform_indices = #map1}]} {
    %mul3A = arith.constant 2 : i32
    %mul3A_0 = arith.muli %arg1, %mul3A : i32
    %add3A = arith.addi %mul3A_0, %arg0 : i32
    %mul3A_1 = arith.constant 256 : i32
    %mul3A_2 = arith.muli %add3A, %mul3A_1 : i32
    %add3A_3 = arith.constant 0 : i32
    %add3A_4 = arith.addi %mul3A_2, %add3A_3 : i32
    "tpu.region"() ({
      %run_scoped3A = tpu.sem_alloc : memref<!tpu.dma_semaphore, #tpu.memory_space<semaphore_mem>>
      %dma_start3A_17 = tpu.memref_slice %arg2[%add3A_4] : memref<8192xi32, #tpu.memory_space<hbm>> -> memref<128xi32, #tpu.memory_space<hbm>>
      %dma_start3A_18 = tpu.memref_slice %arg2[%add3A_4] : memref<8192xi32, #tpu.memory_space<hbm>> -> memref<128xi32, #tpu.memory_space<hbm>>
      tpu.enqueue_dma source(%dma_start3A_18 : memref<128xi32, #tpu.memory_space<hbm>>) target(%arg5 : memref<128xi32, #tpu.memory_space<vmem>>) target_semaphore(%run_scoped3A : memref<!tpu.dma_semaphore, #tpu.memory_space<semaphore_mem>>)
      %dma_wait3A_19 = tpu.memref_slice %arg2[%add3A_4] : memref<8192xi32, #tpu.memory_space<hbm>> -> memref<128xi32, #tpu.memory_space<hbm>>
      %dma_wait3A_20 = tpu.memref_slice %arg2[%add3A_4] : memref<8192xi32, #tpu.memory_space<hbm>> -> memref<128xi32, #tpu.memory_space<hbm>>
      tpu.wait_dma2 semaphore(%run_scoped3A : memref<!tpu.dma_semaphore, #tpu.memory_space<semaphore_mem>>) src(%dma_wait3A_20 : memref<128xi32, #tpu.memory_space<hbm>>) dst(%arg5 : memref<128xi32, #tpu.memory_space<vmem>>)
      tpu.yield
    }) : () -> ()
    %dma_start3A = arith.constant 0 : i32
    %dma_start3A_5 = arith.constant 0 : i32
    %dma_start3A_6 = tpu.memref_slice %arg3[%dma_start3A, %dma_start3A_5] : memref<16128x768xf32, #tpu.memory_space<hbm>> -> memref<16128x768xf32, #tpu.memory_space<hbm>>
    tpu.enqueue_indirect_dma source(%dma_start3A_6 : memref<16128x768xf32, #tpu.memory_space<hbm>>) target(%arg6 : memref<128x768xf32, #tpu.memory_space<vmem>>) offsets(%arg5 : memref<128xi32, #tpu.memory_space<vmem>>) semaphore(%arg7 : memref<!tpu.dma_semaphore, #tpu.memory_space<semaphore_mem>>)
    %dma_wait3A = arith.constant 0 : i32
    %dma_wait3A_7 = arith.constant 0 : i32
    %dma_wait3A_8 = tpu.memref_slice %arg3[%dma_wait3A, %dma_wait3A_7] : memref<16128x768xf32, #tpu.memory_space<hbm>> -> memref<16128x768xf32, #tpu.memory_space<hbm>>
    tpu.wait_indirect_dma semaphore(%arg7 : memref<!tpu.dma_semaphore, #tpu.memory_space<semaphore_mem>>) src(%dma_wait3A_8 : memref<16128x768xf32, #tpu.memory_space<hbm>>) dst(%arg6 : memref<128x768xf32, #tpu.memory_space<vmem>>)
    "tpu.region"() ({
      %run_scoped3A = tpu.sem_alloc : memref<!tpu.dma_semaphore, #tpu.memory_space<semaphore_mem>>
      %dma_start3A_17 = arith.constant 0 : i32
      %dma_start3A_18 = tpu.memref_slice %arg4[%add3A_4, %dma_start3A_17] : memref<8192x768xf32, #tpu.memory_space<hbm>> -> memref<128x768xf32, #tpu.memory_space<hbm>>
      %dma_start3A_19 = arith.constant 0 : i32
      %dma_start3A_20 = tpu.memref_slice %arg4[%add3A_4, %dma_start3A_19] : memref<8192x768xf32, #tpu.memory_space<hbm>> -> memref<128x768xf32, #tpu.memory_space<hbm>>
      tpu.enqueue_dma source(%arg6 : memref<128x768xf32, #tpu.memory_space<vmem>>) target(%dma_start3A_20 : memref<128x768xf32, #tpu.memory_space<hbm>>) target_semaphore(%run_scoped3A : memref<!tpu.dma_semaphore, #tpu.memory_space<semaphore_mem>>)
      %dma_wait3A_21 = arith.constant 0 : i32
      %dma_wait3A_22 = tpu.memref_slice %arg4[%add3A_4, %dma_wait3A_21] : memref<8192x768xf32, #tpu.memory_space<hbm>> -> memref<128x768xf32, #tpu.memory_space<hbm>>
      %dma_wait3A_23 = arith.constant 0 : i32
      %dma_wait3A_24 = tpu.memref_slice %arg4[%add3A_4, %dma_wait3A_23] : memref<8192x768xf32, #tpu.memory_space<hbm>> -> memref<128x768xf32, #tpu.memory_space<hbm>>
      tpu.wait_dma2 semaphore(%run_scoped3A : memref<!tpu.dma_semaphore, #tpu.memory_space<semaphore_mem>>) src(%arg6 : memref<128x768xf32, #tpu.memory_space<vmem>>) dst(%dma_wait3A_24 : memref<128x768xf32, #tpu.memory_space<hbm>>)
      tpu.yield
    }) : () -> ()
    %add3A_9 = arith.constant 128 : i32
    %add3A_10 = arith.addi %mul3A_2, %add3A_9 : i32
    "tpu.region"() ({
      %run_scoped3A = tpu.sem_alloc : memref<!tpu.dma_semaphore, #tpu.memory_space<semaphore_mem>>
      %dma_start3A_17 = tpu.memref_slice %arg2[%add3A_10] : memref<8192xi32, #tpu.memory_space<hbm>> -> memref<128xi32, #tpu.memory_space<hbm>>
      %dma_start3A_18 = tpu.memref_slice %arg2[%add3A_10] : memref<8192xi32, #tpu.memory_space<hbm>> -> memref<128xi32, #tpu.memory_space<hbm>>
      tpu.enqueue_dma source(%dma_start3A_18 : memref<128xi32, #tpu.memory_space<hbm>>) target(%arg5 : memref<128xi32, #tpu.memory_space<vmem>>) target_semaphore(%run_scoped3A : memref<!tpu.dma_semaphore, #tpu.memory_space<semaphore_mem>>)
      %dma_wait3A_19 = tpu.memref_slice %arg2[%add3A_10] : memref<8192xi32, #tpu.memory_space<hbm>> -> memref<128xi32, #tpu.memory_space<hbm>>
      %dma_wait3A_20 = tpu.memref_slice %arg2[%add3A_10] : memref<8192xi32, #tpu.memory_space<hbm>> -> memref<128xi32, #tpu.memory_space<hbm>>
      tpu.wait_dma2 semaphore(%run_scoped3A : memref<!tpu.dma_semaphore, #tpu.memory_space<semaphore_mem>>) src(%dma_wait3A_20 : memref<128xi32, #tpu.memory_space<hbm>>) dst(%arg5 : memref<128xi32, #tpu.memory_space<vmem>>)
      tpu.yield
    }) : () -> ()
    %dma_start3A_11 = arith.constant 0 : i32
    %dma_start3A_12 = arith.constant 0 : i32
    %dma_start3A_13 = tpu.memref_slice %arg3[%dma_start3A_11, %dma_start3A_12] : memref<16128x768xf32, #tpu.memory_space<hbm>> -> memref<16128x768xf32, #tpu.memory_space<hbm>>
    tpu.enqueue_indirect_dma source(%dma_start3A_13 : memref<16128x768xf32, #tpu.memory_space<hbm>>) target(%arg6 : memref<128x768xf32, #tpu.memory_space<vmem>>) offsets(%arg5 : memref<128xi32, #tpu.memory_space<vmem>>) semaphore(%arg7 : memref<!tpu.dma_semaphore, #tpu.memory_space<semaphore_mem>>)
    %dma_wait3A_14 = arith.constant 0 : i32
    %dma_wait3A_15 = arith.constant 0 : i32
    %dma_wait3A_16 = tpu.memref_slice %arg3[%dma_wait3A_14, %dma_wait3A_15] : memref<16128x768xf32, #tpu.memory_space<hbm>> -> memref<16128x768xf32, #tpu.memory_space<hbm>>
    tpu.wait_indirect_dma semaphore(%arg7 : memref<!tpu.dma_semaphore, #tpu.memory_space<semaphore_mem>>) src(%dma_wait3A_16 : memref<16128x768xf32, #tpu.memory_space<hbm>>) dst(%arg6 : memref<128x768xf32, #tpu.memory_space<vmem>>)
    "tpu.region"() ({
      %run_scoped3A = tpu.sem_alloc : memref<!tpu.dma_semaphore, #tpu.memory_space<semaphore_mem>>
      %dma_start3A_17 = arith.constant 0 : i32
      %dma_start3A_18 = tpu.memref_slice %arg4[%add3A_10, %dma_start3A_17] : memref<8192x768xf32, #tpu.memory_space<hbm>> -> memref<128x768xf32, #tpu.memory_space<hbm>>
      %dma_start3A_19 = arith.constant 0 : i32
      %dma_start3A_20 = tpu.memref_slice %arg4[%add3A_10, %dma_start3A_19] : memref<8192x768xf32, #tpu.memory_space<hbm>> -> memref<128x768xf32, #tpu.memory_space<hbm>>
      tpu.enqueue_dma source(%arg6 : memref<128x768xf32, #tpu.memory_space<vmem>>) target(%dma_start3A_20 : memref<128x768xf32, #tpu.memory_space<hbm>>) target_semaphore(%run_scoped3A : memref<!tpu.dma_semaphore, #tpu.memory_space<semaphore_mem>>)
      %dma_wait3A_21 = arith.constant 0 : i32
      %dma_wait3A_22 = tpu.memref_slice %arg4[%add3A_10, %dma_wait3A_21] : memref<8192x768xf32, #tpu.memory_space<hbm>> -> memref<128x768xf32, #tpu.memory_space<hbm>>
      %dma_wait3A_23 = arith.constant 0 : i32
      %dma_wait3A_24 = tpu.memref_slice %arg4[%add3A_10, %dma_wait3A_23] : memref<8192x768xf32, #tpu.memory_space<hbm>> -> memref<128x768xf32, #tpu.memory_space<hbm>>
      tpu.wait_dma2 semaphore(%run_scoped3A : memref<!tpu.dma_semaphore, #tpu.memory_space<semaphore_mem>>) src(%arg6 : memref<128x768xf32, #tpu.memory_space<vmem>>) dst(%dma_wait3A_24 : memref<128x768xf32, #tpu.memory_space<hbm>>)
      tpu.yield
    }) : () -> ()
    return
  }
}

#map = affine_map<(d0, d1) -> (0)>
#map1 = affine_map<(d0, d1) -> (0, 0)>
module attributes {stable_mosaic.version = 14 : i64} {
  func.func @_sc_scatter_body(%arg0: i32, %arg1: i32, %arg2: memref<8192xi32, #tpu.memory_space<hbm>>, %arg3: memref<8192x768xf32, #tpu.memory_space<hbm>>, %arg4: memref<16128x768xf32, #tpu.memory_space<hbm>>, %arg5: memref<128xi32, #tpu.memory_space<vmem>>, %arg6: memref<128x768xf32, #tpu.memory_space<vmem>>, %arg7: memref<!tpu.dma_semaphore, #tpu.memory_space<semaphore_mem>>) attributes {dimension_semantics = [#tpu.dimension_semantics<core_parallel>, #tpu.dimension_semantics<subcore_parallel>], iteration_bounds = array<i64: 2, 16>, scalar_prefetch = 0 : i64, scratch_operands = 3 : i64, tpu.core_type = #tpu.core_type<sc_vector_subcore>, window_params = [{transform_indices = #map}, {transform_indices = #map1}, {transform_indices = #map1}]} {
    %mul3A = arith.constant 2 : i32
    %mul3A_0 = arith.muli %arg1, %mul3A : i32
    %add3A = arith.addi %mul3A_0, %arg0 : i32
    %mul3A_1 = arith.constant 256 : i32
    %mul3A_2 = arith.muli %add3A, %mul3A_1 : i32
    %add3A_3 = arith.constant 0 : i32
    %add3A_4 = arith.addi %mul3A_2, %add3A_3 : i32
    "tpu.region"() ({
      %run_scoped3A = tpu.sem_alloc : memref<!tpu.dma_semaphore, #tpu.memory_space<semaphore_mem>>
      %dma_start3A_17 = tpu.memref_slice %arg2[%add3A_4] : memref<8192xi32, #tpu.memory_space<hbm>> -> memref<128xi32, #tpu.memory_space<hbm>>
      %dma_start3A_18 = tpu.memref_slice %arg2[%add3A_4] : memref<8192xi32, #tpu.memory_space<hbm>> -> memref<128xi32, #tpu.memory_space<hbm>>
      tpu.enqueue_dma source(%dma_start3A_18 : memref<128xi32, #tpu.memory_space<hbm>>) target(%arg5 : memref<128xi32, #tpu.memory_space<vmem>>) target_semaphore(%run_scoped3A : memref<!tpu.dma_semaphore, #tpu.memory_space<semaphore_mem>>)
      %dma_wait3A_19 = tpu.memref_slice %arg2[%add3A_4] : memref<8192xi32, #tpu.memory_space<hbm>> -> memref<128xi32, #tpu.memory_space<hbm>>
      %dma_wait3A_20 = tpu.memref_slice %arg2[%add3A_4] : memref<8192xi32, #tpu.memory_space<hbm>> -> memref<128xi32, #tpu.memory_space<hbm>>
      tpu.wait_dma2 semaphore(%run_scoped3A : memref<!tpu.dma_semaphore, #tpu.memory_space<semaphore_mem>>) src(%dma_wait3A_20 : memref<128xi32, #tpu.memory_space<hbm>>) dst(%arg5 : memref<128xi32, #tpu.memory_space<vmem>>)
      tpu.yield
    }) : () -> ()
    "tpu.region"() ({
      %run_scoped3A = tpu.sem_alloc : memref<!tpu.dma_semaphore, #tpu.memory_space<semaphore_mem>>
      %dma_start3A_17 = arith.constant 0 : i32
      %dma_start3A_18 = tpu.memref_slice %arg3[%add3A_4, %dma_start3A_17] : memref<8192x768xf32, #tpu.memory_space<hbm>> -> memref<128x768xf32, #tpu.memory_space<hbm>>
      %dma_start3A_19 = arith.constant 0 : i32
      %dma_start3A_20 = tpu.memref_slice %arg3[%add3A_4, %dma_start3A_19] : memref<8192x768xf32, #tpu.memory_space<hbm>> -> memref<128x768xf32, #tpu.memory_space<hbm>>
      tpu.enqueue_dma source(%dma_start3A_20 : memref<128x768xf32, #tpu.memory_space<hbm>>) target(%arg6 : memref<128x768xf32, #tpu.memory_space<vmem>>) target_semaphore(%run_scoped3A : memref<!tpu.dma_semaphore, #tpu.memory_space<semaphore_mem>>)
      %dma_wait3A_21 = arith.constant 0 : i32
      %dma_wait3A_22 = tpu.memref_slice %arg3[%add3A_4, %dma_wait3A_21] : memref<8192x768xf32, #tpu.memory_space<hbm>> -> memref<128x768xf32, #tpu.memory_space<hbm>>
      %dma_wait3A_23 = arith.constant 0 : i32
      %dma_wait3A_24 = tpu.memref_slice %arg3[%add3A_4, %dma_wait3A_23] : memref<8192x768xf32, #tpu.memory_space<hbm>> -> memref<128x768xf32, #tpu.memory_space<hbm>>
      tpu.wait_dma2 semaphore(%run_scoped3A : memref<!tpu.dma_semaphore, #tpu.memory_space<semaphore_mem>>) src(%dma_wait3A_24 : memref<128x768xf32, #tpu.memory_space<hbm>>) dst(%arg6 : memref<128x768xf32, #tpu.memory_space<vmem>>)
      tpu.yield
    }) : () -> ()
    %dma_start3A = arith.constant 0 : i32
    %dma_start3A_5 = arith.constant 0 : i32
    %dma_start3A_6 = tpu.memref_slice %arg4[%dma_start3A, %dma_start3A_5] : memref<16128x768xf32, #tpu.memory_space<hbm>> -> memref<16128x768xf32, #tpu.memory_space<hbm>>
    tpu.enqueue_indirect_dma source(%arg6 : memref<128x768xf32, #tpu.memory_space<vmem>>) target(%dma_start3A_6 : memref<16128x768xf32, #tpu.memory_space<hbm>>) offsets(%arg5 : memref<128xi32, #tpu.memory_space<vmem>>) semaphore(%arg7 : memref<!tpu.dma_semaphore, #tpu.memory_space<semaphore_mem>>)
    %dma_wait3A = arith.constant 0 : i32
    %dma_wait3A_7 = arith.constant 0 : i32
    %dma_wait3A_8 = tpu.memref_slice %arg4[%dma_wait3A, %dma_wait3A_7] : memref<16128x768xf32, #tpu.memory_space<hbm>> -> memref<16128x768xf32, #tpu.memory_space<hbm>>
    tpu.wait_indirect_dma semaphore(%arg7 : memref<!tpu.dma_semaphore, #tpu.memory_space<semaphore_mem>>) src(%arg6 : memref<128x768xf32, #tpu.memory_space<vmem>>) dst(%dma_wait3A_8 : memref<16128x768xf32, #tpu.memory_space<hbm>>)
    %add3A_9 = arith.constant 128 : i32
    %add3A_10 = arith.addi %mul3A_2, %add3A_9 : i32
    "tpu.region"() ({
      %run_scoped3A = tpu.sem_alloc : memref<!tpu.dma_semaphore, #tpu.memory_space<semaphore_mem>>
      %dma_start3A_17 = tpu.memref_slice %arg2[%add3A_10] : memref<8192xi32, #tpu.memory_space<hbm>> -> memref<128xi32, #tpu.memory_space<hbm>>
      %dma_start3A_18 = tpu.memref_slice %arg2[%add3A_10] : memref<8192xi32, #tpu.memory_space<hbm>> -> memref<128xi32, #tpu.memory_space<hbm>>
      tpu.enqueue_dma source(%dma_start3A_18 : memref<128xi32, #tpu.memory_space<hbm>>) target(%arg5 : memref<128xi32, #tpu.memory_space<vmem>>) target_semaphore(%run_scoped3A : memref<!tpu.dma_semaphore, #tpu.memory_space<semaphore_mem>>)
      %dma_wait3A_19 = tpu.memref_slice %arg2[%add3A_10] : memref<8192xi32, #tpu.memory_space<hbm>> -> memref<128xi32, #tpu.memory_space<hbm>>
      %dma_wait3A_20 = tpu.memref_slice %arg2[%add3A_10] : memref<8192xi32, #tpu.memory_space<hbm>> -> memref<128xi32, #tpu.memory_space<hbm>>
      tpu.wait_dma2 semaphore(%run_scoped3A : memref<!tpu.dma_semaphore, #tpu.memory_space<semaphore_mem>>) src(%dma_wait3A_20 : memref<128xi32, #tpu.memory_space<hbm>>) dst(%arg5 : memref<128xi32, #tpu.memory_space<vmem>>)
      tpu.yield
    }) : () -> ()
    "tpu.region"() ({
      %run_scoped3A = tpu.sem_alloc : memref<!tpu.dma_semaphore, #tpu.memory_space<semaphore_mem>>
      %dma_start3A_17 = arith.constant 0 : i32
      %dma_start3A_18 = tpu.memref_slice %arg3[%add3A_10, %dma_start3A_17] : memref<8192x768xf32, #tpu.memory_space<hbm>> -> memref<128x768xf32, #tpu.memory_space<hbm>>
      %dma_start3A_19 = arith.constant 0 : i32
      %dma_start3A_20 = tpu.memref_slice %arg3[%add3A_10, %dma_start3A_19] : memref<8192x768xf32, #tpu.memory_space<hbm>> -> memref<128x768xf32, #tpu.memory_space<hbm>>
      tpu.enqueue_dma source(%dma_start3A_20 : memref<128x768xf32, #tpu.memory_space<hbm>>) target(%arg6 : memref<128x768xf32, #tpu.memory_space<vmem>>) target_semaphore(%run_scoped3A : memref<!tpu.dma_semaphore, #tpu.memory_space<semaphore_mem>>)
      %dma_wait3A_21 = arith.constant 0 : i32
      %dma_wait3A_22 = tpu.memref_slice %arg3[%add3A_10, %dma_wait3A_21] : memref<8192x768xf32, #tpu.memory_space<hbm>> -> memref<128x768xf32, #tpu.memory_space<hbm>>
      %dma_wait3A_23 = arith.constant 0 : i32
      %dma_wait3A_24 = tpu.memref_slice %arg3[%add3A_10, %dma_wait3A_23] : memref<8192x768xf32, #tpu.memory_space<hbm>> -> memref<128x768xf32, #tpu.memory_space<hbm>>
      tpu.wait_dma2 semaphore(%run_scoped3A : memref<!tpu.dma_semaphore, #tpu.memory_space<semaphore_mem>>) src(%dma_wait3A_24 : memref<128x768xf32, #tpu.memory_space<hbm>>) dst(%arg6 : memref<128x768xf32, #tpu.memory_space<vmem>>)
      tpu.yield
    }) : () -> ()
    %dma_start3A_11 = arith.constant 0 : i32
    %dma_start3A_12 = arith.constant 0 : i32
    %dma_start3A_13 = tpu.memref_slice %arg4[%dma_start3A_11, %dma_start3A_12] : memref<16128x768xf32, #tpu.memory_space<hbm>> -> memref<16128x768xf32, #tpu.memory_space<hbm>>
    tpu.enqueue_indirect_dma source(%arg6 : memref<128x768xf32, #tpu.memory_space<vmem>>) target(%dma_start3A_13 : memref<16128x768xf32, #tpu.memory_space<hbm>>) offsets(%arg5 : memref<128xi32, #tpu.memory_space<vmem>>) semaphore(%arg7 : memref<!tpu.dma_semaphore, #tpu.memory_space<semaphore_mem>>)
    %dma_wait3A_14 = arith.constant 0 : i32
    %dma_wait3A_15 = arith.constant 0 : i32
    %dma_wait3A_16 = tpu.memref_slice %arg4[%dma_wait3A_14, %dma_wait3A_15] : memref<16128x768xf32, #tpu.memory_space<hbm>> -> memref<16128x768xf32, #tpu.memory_space<hbm>>
    tpu.wait_indirect_dma semaphore(%arg7 : memref<!tpu.dma_semaphore, #tpu.memory_space<semaphore_mem>>) src(%arg6 : memref<128x768xf32, #tpu.memory_space<vmem>>) dst(%dma_wait3A_16 : memref<16128x768xf32, #tpu.memory_space<hbm>>)
    return
  }
}

module attributes {stable_mosaic.version = 14 : i64} {
  func.func @_pos_body(%arg0: i32, %arg1: memref<1x1x512xi32, #tpu.memory_space<vmem>>, %arg2: memref<1x1x512xi32, #tpu.memory_space<vmem>>, %arg3: memref<8x64xf32, #tpu.memory_space<vmem>>, %arg4: memref<1x1x512xi32, #tpu.memory_space<vmem>>) attributes {dimension_semantics = [#tpu.dimension_semantics<arbitrary>], iteration_bounds = array<i64: 16>, scalar_prefetch = 0 : i64, scratch_operands = 0 : i64, tpu.core_type = #tpu.core_type<tc>, window_params = [{transform_indices = @transform_0, window_bounds = array<i64: 1, 1, 512>}, {transform_indices = @transform_1, window_bounds = array<i64: 1, 1, 512>}, {pipeline_mode = #tpu.pipeline_mode<synchronous>, transform_indices = @transform_2, window_bounds = array<i64: 8, 64>}, {transform_indices = @transform_3, window_bounds = array<i64: 1, 1, 512>}]} {
    %get3A = arith.constant 0 : index
    %get3A_0 = arith.constant 0 : index
    %get3A_1 = arith.constant 0 : index
    %get3A_2 = vector.load %arg1[%get3A, %get3A_0, %get3A_1] : memref<1x1x512xi32, #tpu.memory_space<vmem>>, vector<1x1x512xi32>
    %get3A_3 = vector.shape_cast %get3A_2 : vector<1x1x512xi32> to vector<512xi32>
    %iota3A = tpu.iota {dimensions = array<i32: 1>} : vector<512x64xi32>
    %broadcast_in_dim3A = vector.shape_cast %get3A_3 : vector<512xi32> to vector<512x1xi32>
    %eq3A = vector.broadcast %broadcast_in_dim3A : vector<512x1xi32> to vector<512x64xi32>
    %eq3A_4 = arith.cmpi eq, %iota3A, %eq3A : vector<512x64xi32>
    %convert_element_type3A = arith.extui %eq3A_4 : vector<512x64xi1> to vector<512x64xi32>
    %convert_element_type3A_5 = arith.sitofp %convert_element_type3A : vector<512x64xi32> to vector<512x64xf32>
    %get3A_6 = arith.constant 0 : index
    %get3A_7 = arith.constant 0 : index
    %get3A_8 = vector.load %arg3[%get3A_6, %get3A_7] : memref<8x64xf32, #tpu.memory_space<vmem>>, vector<1x64xf32>
    %mul3A = vector.broadcast %get3A_8 : vector<1x64xf32> to vector<512x64xf32>
    %mul3A_9 = arith.mulf %convert_element_type3A_5, %mul3A : vector<512x64xf32>
    %reduce_sum3A = arith.constant dense<0.000000e+00> : vector<512xf32>
    %reduce_sum3A_10 = vector.multi_reduction <add>, %mul3A_9, %reduce_sum3A [1] : vector<512x64xf32> to vector<512xf32>
    %convert_element_type3A_11 = arith.fptosi %reduce_sum3A_10 : vector<512xf32> to vector<512xi32>
    %get3A_12 = arith.constant 0 : index
    %get3A_13 = arith.constant 0 : index
    %get3A_14 = arith.constant 0 : index
    %get3A_15 = vector.load %arg2[%get3A_12, %get3A_13, %get3A_14] : memref<1x1x512xi32, #tpu.memory_space<vmem>>, vector<1x1x512xi32>
    %get3A_16 = vector.shape_cast %get3A_15 : vector<1x1x512xi32> to vector<512xi32>
    %add3A = arith.addi %convert_element_type3A_11, %get3A_16 : vector<512xi32>
    %swap3A = arith.constant 0 : index
    %swap3A_17 = arith.constant 0 : index
    %swap3A_18 = arith.constant 0 : index
    %swap3A_19 = vector.load %arg4[%swap3A, %swap3A_17, %swap3A_18] : memref<1x1x512xi32, #tpu.memory_space<vmem>>, vector<1x1x512xi32>
    %swap3A_20 = vector.shape_cast %swap3A_19 : vector<1x1x512xi32> to vector<512xi32>
    %swap3A_21 = vector.shape_cast %add3A : vector<512xi32> to vector<1x1x512xi32>
    tpu.vector_store %arg4[%swap3A, %swap3A_17, %swap3A_18], %swap3A_21 {strides = array<i32>} : memref<1x1x512xi32, #tpu.memory_space<vmem>>, vector<1x1x512xi32>,
    return
  }
  func.func @transform_0(%arg0: i32) -> (i32, i32, i32) {
    %c0_i32 = arith.constant 0 : i32
    %c0_i32_0 = arith.constant 0 : i32
    %c0_i32_1 = arith.constant 0 : i32
    return %arg0, %c0_i32, %c0_i32_0 : i32, i32, i32
  }
  func.func @transform_1(%arg0: i32) -> (i32, i32, i32) {
    %c0_i32 = arith.constant 0 : i32
    %c0_i32_0 = arith.constant 0 : i32
    %c0_i32_1 = arith.constant 0 : i32
    return %arg0, %c0_i32, %c0_i32_0 : i32, i32, i32
  }
  func.func @transform_2(%arg0: i32) -> (i32, i32) {
    %c0_i32 = arith.constant 0 : i32
    %c0_i32_0 = arith.constant 0 : i32
    %c0_i32_1 = arith.constant 0 : i32
    return %c0_i32, %c0_i32_0 : i32, i32
  }
  func.func @transform_3(%arg0: i32) -> (i32, i32, i32) {
    %c0_i32 = arith.constant 0 : i32
    %c0_i32_0 = arith.constant 0 : i32
    %c0_i32_1 = arith.constant 0 : i32
    return %arg0, %c0_i32, %c0_i32_0 : i32, i32, i32
  }
}

module attributes {stable_mosaic.version = 14 : i64} {
  func.func @_router_body(%arg0: i32, %arg1: memref<512x768xf32, #tpu.memory_space<vmem>>, %arg2: memref<768x64xf32, #tpu.memory_space<vmem>>, %arg3: memref<1x1x512xi32, #tpu.memory_space<vmem>>, %arg4: memref<1x1x512xf32, #tpu.memory_space<vmem>>, %arg5: memref<1x1x512xi32, #tpu.memory_space<vmem>>, %arg6: memref<8x64xf32, #tpu.memory_space<vmem>>, %arg7: memref<8x128xi32, #tpu.memory_space<vmem>>, %arg8: memref<1x64xf32, #tpu.memory_space<vmem>>) attributes {dimension_semantics = [#tpu.dimension_semantics<arbitrary>], iteration_bounds = array<i64: 16>, scalar_prefetch = 0 : i64, scratch_operands = 1 : i64, tpu.core_type = #tpu.core_type<tc>, window_params = [{transform_indices = @transform_0, window_bounds = array<i64: 512, 768>}, {pipeline_mode = #tpu.pipeline_mode<synchronous>, transform_indices = @transform_1, window_bounds = array<i64: 768, 64>}, {transform_indices = @transform_2, window_bounds = array<i64: 1, 1, 512>}, {transform_indices = @transform_3, window_bounds = array<i64: 1, 1, 512>}, {transform_indices = @transform_4, window_bounds = array<i64: 1, 1, 512>}, {pipeline_mode = #tpu.pipeline_mode<synchronous>, transform_indices = @transform_5, window_bounds = array<i64: 8, 64>}, {pipeline_mode = #tpu.pipeline_mode<synchronous>, transform_indices = @transform_6, window_bounds = array<i64: 8, 128>}]} {
    %eq3A = arith.constant 0 : i32
    %eq3A_0 = arith.cmpi eq, %arg0, %eq3A : i32
    %convert_element_type3A = arith.extui %eq3A_0 : i1 to i32
    %cond3A = arith.constant 0 : i32
    %cond3A_1 = arith.cmpi ne, %convert_element_type3A, %cond3A : i32
    scf.if %cond3A_1 {
      %broadcast_in_dim3A_75 = arith.constant 0.000000e+00 : f32
      %broadcast_in_dim3A_76 = vector.broadcast %broadcast_in_dim3A_75 : f32 to vector<1x64xf32>
      %swap3A_77 = arith.constant 0 : index
      %swap3A_78 = arith.constant 0 : index
      %swap3A_79 = vector.load %arg8[%swap3A_77, %swap3A_78] : memref<1x64xf32, #tpu.memory_space<vmem>>, vector<1x64xf32>
      tpu.vector_store %arg8[%swap3A_77, %swap3A_78], %broadcast_in_dim3A_76 {strides = array<i32>} : memref<1x64xf32, #tpu.memory_space<vmem>>, vector<1x64xf32>,
    } else {
    }
    %get3A = arith.constant 0 : index
    %get3A_2 = arith.constant 0 : index
    %get3A_3 = vector.load %arg1[%get3A, %get3A_2] : memref<512x768xf32, #tpu.memory_space<vmem>>, vector<512x768xf32>
    %get3A_4 = arith.constant 0 : index
    %get3A_5 = arith.constant 0 : index
    %get3A_6 = vector.load %arg2[%get3A_4, %get3A_5] : memref<768x64xf32, #tpu.memory_space<vmem>>, vector<768x64xf32>
    %dot_general3A = arith.constant dense<0.000000e+00> : vector<512x64xf32>
    %dot_general3A_7 = tpu.matmul %get3A_3, %get3A_6, %dot_general3A {dimension_numbers = #tpu.dot_dimension_numbers<[1], [0], [0], [1], [0, 0, 1, 1], [], []>, transpose_lhs_hint = false} : vector<512x768xf32>, vector<768x64xf32>, vector<512x64xf32> -> vector<512x64xf32>
    %iota3A = tpu.iota {dimensions = array<i32: 1>} : vector<512x64xi32>
    %lt3A = arith.constant 62 : i32
    %lt3A_8 = vector.broadcast %lt3A : i32 to vector<512x64xi32>
    %lt3A_9 = arith.cmpi slt, %iota3A, %lt3A_8 : vector<512x64xi32>
    %jit3A = arith.constant -1.000000e+30 : f32
    %broadcast_in_dim3A = vector.broadcast %jit3A : f32 to vector<512x64xf32>
    %select_n3A = arith.select %lt3A_9, %dot_general3A_7, %broadcast_in_dim3A : vector<512x64xi1>, vector<512x64xf32>
    %reduce_max3A = arith.constant dense<0xFF800000> : vector<512xf32>
    %reduce_max3A_10 = vector.multi_reduction <maximumf>, %select_n3A, %reduce_max3A [1] : vector<512x64xf32> to vector<512xf32>
    %broadcast_in_dim3A_11 = vector.shape_cast %reduce_max3A_10 : vector<512xf32> to vector<512x1xf32>
    %sub3A = vector.broadcast %broadcast_in_dim3A_11 : vector<512x1xf32> to vector<512x64xf32>
    %sub3A_12 = arith.subf %select_n3A, %sub3A : vector<512x64xf32>
    %exp3A = math.exp %sub3A_12 : vector<512x64xf32>
    %reduce_sum3A = arith.constant dense<0.000000e+00> : vector<512xf32>
    %reduce_sum3A_13 = vector.multi_reduction <add>, %exp3A, %reduce_sum3A [1] : vector<512x64xf32> to vector<512xf32>
    %eq3A_14 = vector.broadcast %broadcast_in_dim3A_11 : vector<512x1xf32> to vector<512x64xf32>
    %eq3A_15 = arith.cmpf oeq, %select_n3A, %eq3A_14 : vector<512x64xf32>
    %jit3A_16 = arith.constant 64 : i32
    %broadcast_in_dim3A_17 = vector.broadcast %jit3A_16 : i32 to vector<512x64xi32>
    %select_n3A_18 = arith.select %eq3A_15, %iota3A, %broadcast_in_dim3A_17 : vector<512x64xi1>, vector<512x64xi32>
    %reduce_min3A = arith.constant dense<2147483647> : vector<512xi32>
    %reduce_min3A_19 = vector.multi_reduction <minsi>, %select_n3A_18, %reduce_min3A [1] : vector<512x64xi32> to vector<512xi32>
    %broadcast_in_dim3A_20 = vector.shape_cast %reduce_min3A_19 : vector<512xi32> to vector<512x1xi32>
    %eq3A_21 = vector.broadcast %broadcast_in_dim3A_20 : vector<512x1xi32> to vector<512x64xi32>
    %eq3A_22 = arith.cmpi eq, %iota3A, %eq3A_21 : vector<512x64xi32>
    %convert_element_type3A_23 = arith.extui %eq3A_22 : vector<512x64xi1> to vector<512x64xi32>
    %convert_element_type3A_24 = arith.sitofp %convert_element_type3A_23 : vector<512x64xi32> to vector<512x64xf32>
    %iota3A_25 = tpu.iota {dimensions = array<i32: 0>} : vector<512x512xi32>
    %iota3A_26 = tpu.iota {dimensions = array<i32: 1>} : vector<512x512xi32>
    %ge3A = arith.cmpi sge, %iota3A_25, %iota3A_26 : vector<512x512xi32>
    %convert_element_type3A_27 = arith.extui %ge3A : vector<512x512xi1> to vector<512x512xi32>
    %convert_element_type3A_28 = arith.sitofp %convert_element_type3A_27 : vector<512x512xi32> to vector<512x512xf32>
    %dot_general3A_29 = arith.constant dense<0.000000e+00> : vector<512x64xf32>
    %dot_general3A_30 = tpu.matmul %convert_element_type3A_28, %convert_element_type3A_24, %dot_general3A_29 {dimension_numbers = #tpu.dot_dimension_numbers<[1], [0], [0], [1], [0, 0, 1, 1], [], []>, transpose_lhs_hint = false} : vector<512x512xf32>, vector<512x64xf32>, vector<512x64xf32> -> vector<512x64xf32>
    %mul3A = arith.mulf %convert_element_type3A_24, %dot_general3A_30 : vector<512x64xf32>
    %reduce_sum3A_31 = arith.constant dense<0.000000e+00> : vector<512xf32>
    %reduce_sum3A_32 = vector.multi_reduction <add>, %mul3A, %reduce_sum3A_31 [1] : vector<512x64xf32> to vector<512xf32>
    %sub3A_33 = arith.constant 1.000000e+00 : f32
    %sub3A_34 = vector.broadcast %sub3A_33 : f32 to vector<512xf32>
    %sub3A_35 = arith.subf %reduce_sum3A_32, %sub3A_34 : vector<512xf32>
    %get3A_36 = arith.constant 0 : index
    %get3A_37 = arith.constant 0 : index
    %get3A_38 = vector.load %arg8[%get3A_36, %get3A_37] : memref<1x64xf32, #tpu.memory_space<vmem>>, vector<1x64xf32>
    %mul3A_39 = vector.broadcast %get3A_38 : vector<1x64xf32> to vector<512x64xf32>
    %mul3A_40 = arith.mulf %convert_element_type3A_24, %mul3A_39 : vector<512x64xf32>
    %reduce_sum3A_41 = arith.constant dense<0.000000e+00> : vector<512xf32>
    %reduce_sum3A_42 = vector.multi_reduction <add>, %mul3A_40, %reduce_sum3A_41 [1] : vector<512x64xf32> to vector<512xf32>
    %swap3A = arith.constant 0 : index
    %swap3A_43 = arith.constant 0 : index
    %swap3A_44 = arith.constant 0 : index
    %swap3A_45 = vector.load %arg3[%swap3A, %swap3A_43, %swap3A_44] : memref<1x1x512xi32, #tpu.memory_space<vmem>>, vector<1x1x512xi32>
    %swap3A_46 = vector.shape_cast %swap3A_45 : vector<1x1x512xi32> to vector<512xi32>
    %swap3A_47 = vector.shape_cast %reduce_min3A_19 : vector<512xi32> to vector<1x1x512xi32>
    tpu.vector_store %arg3[%swap3A, %swap3A_43, %swap3A_44], %swap3A_47 {strides = array<i32>} : memref<1x1x512xi32, #tpu.memory_space<vmem>>, vector<1x1x512xi32>,
    %div3A = arith.constant 1.000000e+00 : f32
    %div3A_48 = vector.broadcast %div3A : f32 to vector<512xf32>
    %div3A_49 = arith.divf %div3A_48, %reduce_sum3A_13 : vector<512xf32>
    %swap3A_50 = arith.constant 0 : index
    %swap3A_51 = arith.constant 0 : index
    %swap3A_52 = arith.constant 0 : index
    %swap3A_53 = vector.load %arg4[%swap3A_50, %swap3A_51, %swap3A_52] : memref<1x1x512xf32, #tpu.memory_space<vmem>>, vector<1x1x512xf32>
    %swap3A_54 = vector.shape_cast %swap3A_53 : vector<1x1x512xf32> to vector<512xf32>
    %swap3A_55 = vector.shape_cast %div3A_49 : vector<512xf32> to vector<1x1x512xf32>
    tpu.vector_store %arg4[%swap3A_50, %swap3A_51, %swap3A_52], %swap3A_55 {strides = array<i32>} : memref<1x1x512xf32, #tpu.memory_space<vmem>>, vector<1x1x512xf32>,
    %add3A = arith.addf %reduce_sum3A_42, %sub3A_35 : vector<512xf32>
    %convert_element_type3A_56 = arith.fptosi %add3A : vector<512xf32> to vector<512xi32>
    %swap3A_57 = arith.constant 0 : index
    %swap3A_58 = arith.constant 0 : index
    %swap3A_59 = arith.constant 0 : index
    %swap3A_60 = vector.load %arg5[%swap3A_57, %swap3A_58, %swap3A_59] : memref<1x1x512xi32, #tpu.memory_space<vmem>>, vector<1x1x512xi32>
    %swap3A_61 = vector.shape_cast %swap3A_60 : vector<1x1x512xi32> to vector<512xi32>
    %swap3A_62 = vector.shape_cast %convert_element_type3A_56 : vector<512xi32> to vector<1x1x512xi32>
    tpu.vector_store %arg5[%swap3A_57, %swap3A_58, %swap3A_59], %swap3A_62 {strides = array<i32>} : memref<1x1x512xi32, #tpu.memory_space<vmem>>, vector<1x1x512xi32>,
    %get3A_63 = arith.constant 0 : index
    %get3A_64 = arith.constant 0 : index
    %get3A_65 = vector.load %arg8[%get3A_63, %get3A_64] : memref<1x64xf32, #tpu.memory_space<vmem>>, vector<1x64xf32>
    %slice3A = vector.extract_strided_slice %dot_general3A_30 {offsets = [511, 0], sizes = [1, 64], strides = [1, 1]} : vector<512x64xf32> to vector<1x64xf32>
    %add3A_66 = arith.addf %get3A_65, %slice3A : vector<1x64xf32>
    %swap3A_67 = arith.constant 0 : index
    %swap3A_68 = arith.constant 0 : index
    %swap3A_69 = vector.load %arg8[%swap3A_67, %swap3A_68] : memref<1x64xf32, #tpu.memory_space<vmem>>, vector<1x64xf32>
    tpu.vector_store %arg8[%swap3A_67, %swap3A_68], %add3A_66 {strides = array<i32>} : memref<1x64xf32, #tpu.memory_space<vmem>>, vector<1x64xf32>,
    %eq3A_70 = arith.constant 15 : i32
    %eq3A_71 = arith.cmpi eq, %arg0, %eq3A_70 : i32
    %convert_element_type3A_72 = arith.extui %eq3A_71 : i1 to i32
    %cond3A_73 = arith.constant 0 : i32
    %cond3A_74 = arith.cmpi ne, %convert_element_type3A_72, %cond3A_73 : i32
    scf.if %cond3A_74 {
      %get3A_75 = arith.constant 0 : index
      %get3A_76 = arith.constant 0 : index
      %get3A_77 = vector.load %arg8[%get3A_75, %get3A_76] : memref<1x64xf32, #tpu.memory_space<vmem>>, vector<1x64xf32>
      %add3A_78 = arith.constant 1.270000e+02 : f32
      %add3A_79 = vector.broadcast %add3A_78 : f32 to vector<1x64xf32>
      %add3A_80 = arith.addf %get3A_77, %add3A_79 : vector<1x64xf32>
      %mul3A_81 = arith.constant 7.812500e-03 : f32
      %mul3A_82 = vector.broadcast %mul3A_81 : f32 to vector<1x64xf32>
      %mul3A_83 = arith.mulf %add3A_80, %mul3A_82 : vector<1x64xf32>
      %floor3A = math.floor %mul3A_83 : vector<1x64xf32>
      %mul3A_84 = arith.constant 1.280000e+02 : f32
      %mul3A_85 = vector.broadcast %mul3A_84 : f32 to vector<1x64xf32>
      %mul3A_86 = arith.mulf %floor3A, %mul3A_85 : vector<1x64xf32>
      %iota3A_87 = tpu.iota {dimensions = array<i32: 0>} : vector<64x64xi32>
      %iota3A_88 = tpu.iota {dimensions = array<i32: 1>} : vector<64x64xi32>
      %lt3A_89 = arith.cmpi slt, %iota3A_87, %iota3A_88 : vector<64x64xi32>
      %convert_element_type3A_90 = arith.extui %lt3A_89 : vector<64x64xi1> to vector<64x64xi32>
      %convert_element_type3A_91 = arith.sitofp %convert_element_type3A_90 : vector<64x64xi32> to vector<64x64xf32>
      %le3A = arith.cmpi sle, %iota3A_87, %iota3A_88 : vector<64x64xi32>
      %convert_element_type3A_92 = arith.extui %le3A : vector<64x64xi1> to vector<64x64xi32>
      %convert_element_type3A_93 = arith.sitofp %convert_element_type3A_92 : vector<64x64xi32> to vector<64x64xf32>
      %dot_general3A_94 = arith.constant dense<0.000000e+00> : vector<1x64xf32>
      %dot_general3A_95 = tpu.matmul %mul3A_86, %convert_element_type3A_91, %dot_general3A_94 {dimension_numbers = #tpu.dot_dimension_numbers<[1], [0], [0], [1], [0, 0, 1, 1], [], []>, transpose_lhs_hint = false} : vector<1x64xf32>, vector<64x64xf32>, vector<1x64xf32> -> vector<1x64xf32>
      %mul3A_96 = arith.constant 7.812500e-03 : f32
      %mul3A_97 = vector.broadcast %mul3A_96 : f32 to vector<1x64xf32>
      %mul3A_98 = arith.mulf %mul3A_86, %mul3A_97 : vector<1x64xf32>
      %dot_general3A_99 = arith.constant dense<0.000000e+00> : vector<1x64xf32>
      %dot_general3A_100 = tpu.matmul %mul3A_98, %convert_element_type3A_93, %dot_general3A_99 {dimension_numbers = #tpu.dot_dimension_numbers<[1], [0], [0], [1], [0, 0, 1, 1], [], []>, transpose_lhs_hint = false} : vector<1x64xf32>, vector<64x64xf32>, vector<1x64xf32> -> vector<1x64xf32>
      %broadcast_in_dim3A_101 = vector.shape_cast %dot_general3A_95 : vector<1x64xf32> to vector<1x64xf32>
      %broadcast_in_dim3A_102 = vector.broadcast %broadcast_in_dim3A_101 : vector<1x64xf32> to vector<8x64xf32>
      %swap3A_103 = arith.constant 0 : index
      %swap3A_104 = arith.constant 0 : index
      %swap3A_105 = vector.load %arg6[%swap3A_103, %swap3A_104] : memref<8x64xf32, #tpu.memory_space<vmem>>, vector<8x64xf32>
      tpu.vector_store %arg6[%swap3A_103, %swap3A_104], %broadcast_in_dim3A_102 {strides = array<i32>} : memref<8x64xf32, #tpu.memory_space<vmem>>, vector<8x64xf32>,
      %reshape3A = vector.shape_cast %dot_general3A_100 : vector<1x64xf32> to vector<64xf32>
      %broadcast_in_dim3A_106 = vector.shape_cast %reshape3A : vector<64xf32> to vector<64x1xf32>
      %broadcast_in_dim3A_107 = vector.broadcast %broadcast_in_dim3A_106 : vector<64x1xf32> to vector<64x128xf32>
      %iota3A_108 = tpu.iota {dimensions = array<i32: 0>} : vector<64x128xi32>
      %iota3A_109 = tpu.iota {dimensions = array<i32: 1>} : vector<64x128xi32>
      %convert_element_type3A_110 = arith.sitofp %iota3A_109 : vector<64x128xi32> to vector<64x128xf32>
      %le3A_111 = arith.cmpf ole, %broadcast_in_dim3A_107, %convert_element_type3A_110 : vector<64x128xf32>
      %lt3A_112 = arith.constant 62 : i32
      %lt3A_113 = vector.broadcast %lt3A_112 : i32 to vector<64x128xi32>
      %lt3A_114 = arith.cmpi slt, %iota3A_108, %lt3A_113 : vector<64x128xi32>
      %and3A = arith.andi %le3A_111, %lt3A_114 : vector<64x128xi1>
      %jit3A_115 = arith.constant 1.000000e+00 : f32
      %jit3A_116 = arith.constant 0.000000e+00 : f32
      %broadcast_in_dim3A_117 = vector.broadcast %jit3A_115 : f32 to vector<64x128xf32>
      %broadcast_in_dim3A_118 = vector.broadcast %jit3A_116 : f32 to vector<64x128xf32>
      %select_n3A_119 = arith.select %and3A, %broadcast_in_dim3A_117, %broadcast_in_dim3A_118 : vector<64x128xi1>, vector<64x128xf32>
      %reduce_sum3A_120 = arith.constant dense<0.000000e+00> : vector<128xf32>
      %reduce_sum3A_121 = vector.multi_reduction <add>, %select_n3A_119, %reduce_sum3A_120 [0] : vector<64x128xf32> to vector<128xf32>
      %min3A = arith.constant 6.100000e+01 : f32
      %min3A_122 = vector.broadcast %min3A : f32 to vector<128xf32>
      %min3A_123 = arith.minimumf %reduce_sum3A_121, %min3A_122 : vector<128xf32>
      %broadcast_in_dim3A_124 = vector.shape_cast %min3A_123 : vector<128xf32> to vector<1x128xf32>
      %broadcast_in_dim3A_125 = vector.shape_cast %broadcast_in_dim3A_124 : vector<1x128xf32> to vector<1x128xf32>
      %broadcast_in_dim3A_126 = vector.broadcast %broadcast_in_dim3A_125 : vector<1x128xf32> to vector<8x128xf32>
      %convert_element_type3A_127 = arith.fptosi %broadcast_in_dim3A_126 : vector<8x128xf32> to vector<8x128xi32>
      %swap3A_128 = arith.constant 0 : index
      %swap3A_129 = arith.constant 0 : index
      %swap3A_130 = vector.load %arg7[%swap3A_128, %swap3A_129] : memref<8x128xi32, #tpu.memory_space<vmem>>, vector<8x128xi32>
      tpu.vector_store %arg7[%swap3A_128, %swap3A_129], %convert_element_type3A_127 {strides = array<i32>} : memref<8x128xi32, #tpu.memory_space<vmem>>, vector<8x128xi32>,
    } else {
    }
    return
  }
  func.func @transform_0(%arg0: i32) -> (i32, i32) {
    %c0_i32 = arith.constant 0 : i32
    %c0_i32_0 = arith.constant 0 : i32
    return %arg0, %c0_i32 : i32, i32
  }
  func.func @transform_1(%arg0: i32) -> (i32, i32) {
    %c0_i32 = arith.constant 0 : i32
    %c0_i32_0 = arith.constant 0 : i32
    %c0_i32_1 = arith.constant 0 : i32
    return %c0_i32, %c0_i32_0 : i32, i32
  }
  func.func @transform_2(%arg0: i32) -> (i32, i32, i32) {
    %c0_i32 = arith.constant 0 : i32
    %c0_i32_0 = arith.constant 0 : i32
    %c0_i32_1 = arith.constant 0 : i32
    return %arg0, %c0_i32, %c0_i32_0 : i32, i32, i32
  }
  func.func @transform_3(%arg0: i32) -> (i32, i32, i32) {
    %c0_i32 = arith.constant 0 : i32
    %c0_i32_0 = arith.constant 0 : i32
    %c0_i32_1 = arith.constant 0 : i32
    return %arg0, %c0_i32, %c0_i32_0 : i32, i32, i32
  }
  func.func @transform_4(%arg0: i32) -> (i32, i32, i32) {
    %c0_i32 = arith.constant 0 : i32
    %c0_i32_0 = arith.constant 0 : i32
    %c0_i32_1 = arith.constant 0 : i32
    return %arg0, %c0_i32, %c0_i32_0 : i32, i32, i32
  }
  func.func @transform_5(%arg0: i32) -> (i32, i32) {
    %c0_i32 = arith.constant 0 : i32
    %c0_i32_0 = arith.constant 0 : i32
    %c0_i32_1 = arith.constant 0 : i32
    return %c0_i32, %c0_i32_0 : i32, i32
  }
  func.func @transform_6(%arg0: i32) -> (i32, i32) {
    %c0_i32 = arith.constant 0 : i32
    %c0_i32_0 = arith.constant 0 : i32
    %c0_i32_1 = arith.constant 0 : i32
    return %c0_i32, %c0_i32_0 : i32, i32
  }
}

module attributes {stable_mosaic.version = 14 : i64} {
  func.func @_moe_body(%arg0: i32, %arg1: memref<8x128xi32, #tpu.memory_space<smem>>, %arg2: memref<128x768xf32, #tpu.memory_space<vmem>>, %arg3: memref<1x256x768xf32, #tpu.memory_space<vmem>>, %arg4: memref<1x256x768xf32, #tpu.memory_space<vmem>>, %arg5: memref<1x768x256xf32, #tpu.memory_space<vmem>>, %arg6: memref<128x768xf32, #tpu.memory_space<vmem>>) attributes {dimension_semantics = [#tpu.dimension_semantics<arbitrary>], iteration_bounds = array<i64: 126>, scalar_prefetch = 1 : i64, scratch_operands = 0 : i64, tpu.core_type = #tpu.core_type<tc>, window_params = [{transform_indices = @transform_0, window_bounds = array<i64: 128, 768>}, {transform_indices = @transform_1, window_bounds = array<i64: 1, 256, 768>}, {transform_indices = @transform_2, window_bounds = array<i64: 1, 256, 768>}, {transform_indices = @transform_3, window_bounds = array<i64: 1, 768, 256>}, {transform_indices = @transform_4, window_bounds = array<i64: 128, 768>}]} {
    %get3A = arith.constant 0 : index
    %get3A_0 = arith.constant 0 : index
    %get3A_1 = vector.load %arg2[%get3A, %get3A_0] : memref<128x768xf32, #tpu.memory_space<vmem>>, vector<128x768xf32>
    %get3A_2 = arith.constant 0 : index
    %get3A_3 = arith.constant 0 : index
    %get3A_4 = arith.constant 0 : index
    %get3A_5 = vector.load %arg3[%get3A_2, %get3A_3, %get3A_4] : memref<1x256x768xf32, #tpu.memory_space<vmem>>, vector<1x256x768xf32>
    %get3A_6 = vector.shape_cast %get3A_5 : vector<1x256x768xf32> to vector<256x768xf32>
    %get3A_7 = arith.constant 0 : index
    %get3A_8 = arith.constant 0 : index
    %get3A_9 = arith.constant 0 : index
    %get3A_10 = vector.load %arg4[%get3A_7, %get3A_8, %get3A_9] : memref<1x256x768xf32, #tpu.memory_space<vmem>>, vector<1x256x768xf32>
    %get3A_11 = vector.shape_cast %get3A_10 : vector<1x256x768xf32> to vector<256x768xf32>
    %get3A_12 = arith.constant 0 : index
    %get3A_13 = arith.constant 0 : index
    %get3A_14 = arith.constant 0 : index
    %get3A_15 = vector.load %arg5[%get3A_12, %get3A_13, %get3A_14] : memref<1x768x256xf32, #tpu.memory_space<vmem>>, vector<1x768x256xf32>
    %get3A_16 = vector.shape_cast %get3A_15 : vector<1x768x256xf32> to vector<768x256xf32>
    %dot_general3A = arith.constant dense<0.000000e+00> : vector<128x256xf32>
    %dot_general3A_17 = tpu.matmul %get3A_1, %get3A_6, %dot_general3A {dimension_numbers = #tpu.dot_dimension_numbers<[1], [1], [0], [0], [0, 0, 1, 0], [], []>, transpose_lhs_hint = false} : vector<128x768xf32>, vector<256x768xf32>, vector<128x256xf32> -> vector<128x256xf32>
    %dot_general3A_18 = arith.constant dense<0.000000e+00> : vector<128x256xf32>
    %dot_general3A_19 = tpu.matmul %get3A_1, %get3A_11, %dot_general3A_18 {dimension_numbers = #tpu.dot_dimension_numbers<[1], [1], [0], [0], [0, 0, 1, 0], [], []>, transpose_lhs_hint = false} : vector<128x768xf32>, vector<256x768xf32>, vector<128x256xf32> -> vector<128x256xf32>
    %logistic3A = arith.negf %dot_general3A_17 : vector<128x256xf32>
    %logistic3A_20 = math.exp %logistic3A : vector<128x256xf32>
    %logistic3A_21 = arith.constant 1.000000e+00 : f32
    %logistic3A_22 = vector.broadcast %logistic3A_21 : f32 to vector<128x256xf32>
    %logistic3A_23 = arith.addf %logistic3A_22, %logistic3A_20 : vector<128x256xf32>
    %logistic3A_24 = arith.divf %logistic3A_22, %logistic3A_23 : vector<128x256xf32>
    %mul3A = arith.mulf %dot_general3A_17, %logistic3A_24 : vector<128x256xf32>
    %mul3A_25 = arith.mulf %mul3A, %dot_general3A_19 : vector<128x256xf32>
    %dot_general3A_26 = arith.constant dense<0.000000e+00> : vector<128x768xf32>
    %dot_general3A_27 = tpu.matmul %mul3A_25, %get3A_16, %dot_general3A_26 {dimension_numbers = #tpu.dot_dimension_numbers<[1], [1], [0], [0], [0, 0, 1, 0], [], []>, transpose_lhs_hint = false} : vector<128x256xf32>, vector<768x256xf32>, vector<128x768xf32> -> vector<128x768xf32>
    %swap3A = arith.constant 0 : index
    %swap3A_28 = arith.constant 0 : index
    %swap3A_29 = vector.load %arg6[%swap3A, %swap3A_28] : memref<128x768xf32, #tpu.memory_space<vmem>>, vector<128x768xf32>
    tpu.vector_store %arg6[%swap3A, %swap3A_28], %dot_general3A_27 {strides = array<i32>} : memref<128x768xf32, #tpu.memory_space<vmem>>, vector<128x768xf32>,
    return
  }
  func.func @transform_0(%arg0: i32, %arg1: memref<8x128xi32, #tpu.memory_space<smem>>) -> (i32, i32) {
    %c0_i32 = arith.constant 0 : i32
    %c0_i32_0 = arith.constant 0 : i32
    return %arg0, %c0_i32 : i32, i32
  }
  func.func @transform_1(%arg0: i32, %arg1: memref<8x128xi32, #tpu.memory_space<smem>>) -> (i32, i32, i32) {
    %get3A = arith.constant 0 : index
    %get3A_0 = arith.index_cast %arg0 : i32 to index
    %get3A_1 = memref.load %arg1[%get3A, %get3A_0] : memref<8x128xi32, #tpu.memory_space<smem>>
    %c0_i32 = arith.constant 0 : i32
    %c0_i32_2 = arith.constant 0 : i32
    %c0_i32_3 = arith.constant 0 : i32
    return %get3A_1, %c0_i32, %c0_i32_2 : i32, i32, i32
  }
  func.func @transform_2(%arg0: i32, %arg1: memref<8x128xi32, #tpu.memory_space<smem>>) -> (i32, i32, i32) {
    %get3A = arith.constant 0 : index
    %get3A_0 = arith.index_cast %arg0 : i32 to index
    %get3A_1 = memref.load %arg1[%get3A, %get3A_0] : memref<8x128xi32, #tpu.memory_space<smem>>
    %c0_i32 = arith.constant 0 : i32
    %c0_i32_2 = arith.constant 0 : i32
    %c0_i32_3 = arith.constant 0 : i32
    return %get3A_1, %c0_i32, %c0_i32_2 : i32, i32, i32
  }
  func.func @transform_3(%arg0: i32, %arg1: memref<8x128xi32, #tpu.memory_space<smem>>) -> (i32, i32, i32) {
    %get3A = arith.constant 0 : index
    %get3A_0 = arith.index_cast %arg0 : i32 to index
    %get3A_1 = memref.load %arg1[%get3A, %get3A_0] : memref<8x128xi32, #tpu.memory_space<smem>>
    %c0_i32 = arith.constant 0 : i32
    %c0_i32_2 = arith.constant 0 : i32
    %c0_i32_3 = arith.constant 0 : i32
    return %get3A_1, %c0_i32, %c0_i32_2 : i32, i32, i32
  }
  func.func @transform_4(%arg0: i32, %arg1: memref<8x128xi32, #tpu.memory_space<smem>>) -> (i32, i32) {
    %c0_i32 = arith.constant 0 : i32
    %c0_i32_0 = arith.constant 0 : i32
    return %arg0, %c0_i32 : i32, i32
  }
}

module attributes {stable_mosaic.version = 14 : i64} {
  func.func @_shared_body(%arg0: i32, %arg1: memref<512x768xf32, #tpu.memory_space<vmem>>, %arg2: memref<512x768xf32, #tpu.memory_space<vmem>>, %arg3: memref<512x768xf32, #tpu.memory_space<vmem>>, %arg4: memref<768x512xf32, #tpu.memory_space<vmem>>, %arg5: memref<512x768xf32, #tpu.memory_space<vmem>>, %arg6: memref<1x1x512xf32, #tpu.memory_space<vmem>>, %arg7: memref<512x768xf32, #tpu.memory_space<vmem>>) attributes {dimension_semantics = [#tpu.dimension_semantics<arbitrary>], iteration_bounds = array<i64: 16>, scalar_prefetch = 0 : i64, scratch_operands = 0 : i64, tpu.core_type = #tpu.core_type<tc>, window_params = [{transform_indices = @transform_0, window_bounds = array<i64: 512, 768>}, {pipeline_mode = #tpu.pipeline_mode<synchronous>, transform_indices = @transform_1, window_bounds = array<i64: 512, 768>}, {pipeline_mode = #tpu.pipeline_mode<synchronous>, transform_indices = @transform_2, window_bounds = array<i64: 512, 768>}, {pipeline_mode = #tpu.pipeline_mode<synchronous>, transform_indices = @transform_3, window_bounds = array<i64: 768, 512>}, {transform_indices = @transform_4, window_bounds = array<i64: 512, 768>}, {transform_indices = @transform_5, window_bounds = array<i64: 1, 1, 512>}, {transform_indices = @transform_6, window_bounds = array<i64: 512, 768>}]} {
    %get3A = arith.constant 0 : index
    %get3A_0 = arith.constant 0 : index
    %get3A_1 = vector.load %arg1[%get3A, %get3A_0] : memref<512x768xf32, #tpu.memory_space<vmem>>, vector<512x768xf32>
    %get3A_2 = arith.constant 0 : index
    %get3A_3 = arith.constant 0 : index
    %get3A_4 = vector.load %arg2[%get3A_2, %get3A_3] : memref<512x768xf32, #tpu.memory_space<vmem>>, vector<512x768xf32>
    %dot_general3A = arith.constant dense<0.000000e+00> : vector<512x512xf32>
    %dot_general3A_5 = tpu.matmul %get3A_1, %get3A_4, %dot_general3A {dimension_numbers = #tpu.dot_dimension_numbers<[1], [1], [0], [0], [0, 0, 1, 0], [], []>, transpose_lhs_hint = false} : vector<512x768xf32>, vector<512x768xf32>, vector<512x512xf32> -> vector<512x512xf32>
    %get3A_6 = arith.constant 0 : index
    %get3A_7 = arith.constant 0 : index
    %get3A_8 = vector.load %arg3[%get3A_6, %get3A_7] : memref<512x768xf32, #tpu.memory_space<vmem>>, vector<512x768xf32>
    %dot_general3A_9 = arith.constant dense<0.000000e+00> : vector<512x512xf32>
    %dot_general3A_10 = tpu.matmul %get3A_1, %get3A_8, %dot_general3A_9 {dimension_numbers = #tpu.dot_dimension_numbers<[1], [1], [0], [0], [0, 0, 1, 0], [], []>, transpose_lhs_hint = false} : vector<512x768xf32>, vector<512x768xf32>, vector<512x512xf32> -> vector<512x512xf32>
    %logistic3A = arith.negf %dot_general3A_5 : vector<512x512xf32>
    %logistic3A_11 = math.exp %logistic3A : vector<512x512xf32>
    %logistic3A_12 = arith.constant 1.000000e+00 : f32
    %logistic3A_13 = vector.broadcast %logistic3A_12 : f32 to vector<512x512xf32>
    %logistic3A_14 = arith.addf %logistic3A_13, %logistic3A_11 : vector<512x512xf32>
    %logistic3A_15 = arith.divf %logistic3A_13, %logistic3A_14 : vector<512x512xf32>
    %mul3A = arith.mulf %dot_general3A_5, %logistic3A_15 : vector<512x512xf32>
    %mul3A_16 = arith.mulf %mul3A, %dot_general3A_10 : vector<512x512xf32>
    %get3A_17 = arith.constant 0 : index
    %get3A_18 = arith.constant 0 : index
    %get3A_19 = vector.load %arg4[%get3A_17, %get3A_18] : memref<768x512xf32, #tpu.memory_space<vmem>>, vector<768x512xf32>
    %dot_general3A_20 = arith.constant dense<0.000000e+00> : vector<512x768xf32>
    %dot_general3A_21 = tpu.matmul %mul3A_16, %get3A_19, %dot_general3A_20 {dimension_numbers = #tpu.dot_dimension_numbers<[1], [1], [0], [0], [0, 0, 1, 0], [], []>, transpose_lhs_hint = false} : vector<512x512xf32>, vector<768x512xf32>, vector<512x768xf32> -> vector<512x768xf32>
    %get3A_22 = arith.constant 0 : index
    %get3A_23 = arith.constant 0 : index
    %get3A_24 = arith.constant 0 : index
    %get3A_25 = vector.load %arg6[%get3A_22, %get3A_23, %get3A_24] : memref<1x1x512xf32, #tpu.memory_space<vmem>>, vector<1x1x512xf32>
    %get3A_26 = vector.shape_cast %get3A_25 : vector<1x1x512xf32> to vector<512xf32>
    %get3A_27 = arith.constant 0 : index
    %get3A_28 = arith.constant 0 : index
    %get3A_29 = vector.load %arg5[%get3A_27, %get3A_28] : memref<512x768xf32, #tpu.memory_space<vmem>>, vector<512x768xf32>
    %broadcast_in_dim3A = vector.shape_cast %get3A_26 : vector<512xf32> to vector<512x1xf32>
    %mul3A_30 = vector.broadcast %broadcast_in_dim3A : vector<512x1xf32> to vector<512x768xf32>
    %mul3A_31 = arith.mulf %get3A_29, %mul3A_30 : vector<512x768xf32>
    %add3A = arith.addf %dot_general3A_21, %mul3A_31 : vector<512x768xf32>
    %swap3A = arith.constant 0 : index
    %swap3A_32 = arith.constant 0 : index
    %swap3A_33 = vector.load %arg7[%swap3A, %swap3A_32] : memref<512x768xf32, #tpu.memory_space<vmem>>, vector<512x768xf32>
    tpu.vector_store %arg7[%swap3A, %swap3A_32], %add3A {strides = array<i32>} : memref<512x768xf32, #tpu.memory_space<vmem>>, vector<512x768xf32>,
    return
  }
  func.func @transform_0(%arg0: i32) -> (i32, i32) {
    %c0_i32 = arith.constant 0 : i32
    %c0_i32_0 = arith.constant 0 : i32
    return %arg0, %c0_i32 : i32, i32
  }
  func.func @transform_1(%arg0: i32) -> (i32, i32) {
    %c0_i32 = arith.constant 0 : i32
    %c0_i32_0 = arith.constant 0 : i32
    %c0_i32_1 = arith.constant 0 : i32
    return %c0_i32, %c0_i32_0 : i32, i32
  }
  func.func @transform_2(%arg0: i32) -> (i32, i32) {
    %c0_i32 = arith.constant 0 : i32
    %c0_i32_0 = arith.constant 0 : i32
    %c0_i32_1 = arith.constant 0 : i32
    return %c0_i32, %c0_i32_0 : i32, i32
  }
  func.func @transform_3(%arg0: i32) -> (i32, i32) {
    %c0_i32 = arith.constant 0 : i32
    %c0_i32_0 = arith.constant 0 : i32
    %c0_i32_1 = arith.constant 0 : i32
    return %c0_i32, %c0_i32_0 : i32, i32
  }
  func.func @transform_4(%arg0: i32) -> (i32, i32) {
    %c0_i32 = arith.constant 0 : i32
    %c0_i32_0 = arith.constant 0 : i32
    return %arg0, %c0_i32 : i32, i32
  }
  func.func @transform_5(%arg0: i32) -> (i32, i32, i32) {
    %c0_i32 = arith.constant 0 : i32
    %c0_i32_0 = arith.constant 0 : i32
    %c0_i32_1 = arith.constant 0 : i32
    return %arg0, %c0_i32, %c0_i32_0 : i32, i32, i32
  }
  func.func @transform_6(%arg0: i32) -> (i32, i32) {
    %c0_i32 = arith.constant 0 : i32
    %c0_i32_0 = arith.constant 0 : i32
    return %arg0, %c0_i32 : i32, i32
  }
}

</mosaic_0001>

<sc_bundles>
// kernel: kernel.11.cloned.1.call-start
scs
__scs_entry_jumppad:
0x0: {  	(pc) =	sbr.rel $0x88, $3  }
0x1: {  	(tag) =	ssettag $0x0;
	lr =	simm.s32 $0x1  }
0x2: {  	[smem:$0x3F99] =	sst lr;
	_ =	strace $0xD0000000  }
0x3: {  	_ = 	snop  }
0x4: {  	_ = 	snop  }
0x5: {  	_ = 	snop  }
0x6: {  	_ = 	snop  }
0x7: {  	_ = 	snop  }
__scs_overlays_trampoline_lowered:
0x8: {  	[smem:$0x3FA8] =	sst s0  }
0x9: {  	[smem:$0x3FA9] =	sst s1  }
0xa: {  	[smem:$0x3FAA] =	sst s2  }
0xb: {  	[smem:$0x3FAB] =	sst s3  }
0xc: {  	[smem:$0x3FAC] =	sst s4  }
0xd: {  	[smem:$0x3FAD] =	sst s5  }
0xe: {  	[smem:$0x3FAE] =	sst s6  }
0xf: {  	[smem:$0x3FAF] =	sst s7  }
0x10: {  	[smem:$0x3FB0] =	sst s8  }
0x11: {  	[smem:$0x3FB1] =	sst s9;
	s0 =	simm.s32 @!p0 $0x0  }
0x12: {  	s1 =	sld [smem:$0x3F97];
	s0 =	simm.s32 @p0 $0x1  }
0x13: {  	[smem:$0x3FB2] =	sst s0;
	s0 =	simm.s32 @!p1 $0x0  }
0x14: {  	s2 =	sld [smem:$0x3F96];
	s0 =	simm.s32 @p1 $0x1  }
0x15: {  	[smem:$0x3FB3] =	sst s0;
	s0 =	simm.s32 @!p2 $0x0  }
0x16: {  	s3 =	sld [smem:$0x3FDB];
	s0 =	simm.s32 @p2 $0x1  }
0x17: {  	s4 =	simm.s32 $0x1BF5;
	[smem:$0x3FB5] =	sst s0  }
0x18: {  	s0 =	sld [smem:$0x3F98];
	_ =	swait.ge [sflag:s4], $0x0  }
0x19: {  	s7 =	sld [smem:$0x3F99]  }
0x1a: {  	s8 =	sadd.s32 $0xFFFFE003, lr  }
0x1b: {  	s9 =	sadd.s32 $0xFFFFFEF7, lr;
	s5 =	simm.s32 $0xFFFFFFFF;
	p2 =	slt.u32 s8, $0xFFFFF086  }
0x1c: {  	p1 =	slt.u32 s9, $0xF7A;
	s5 =	simm.s32 @!p2 $0x0  }
0x1d: {  	s5 =	simm.s32 @p1 $0x1;
	p0 =	seq.s32 s7, s2  }
0x1e: {  	s7 =	smul.u32 @!p0 $0xF7A, s2;
	p2 =	seq.s32 @!p0 s5, $0x0  }
0x1f: {  	s9 =	smul.u32 $0xF7A, s1;
	s8 =	simm.s32 @!p0 $0x1BF5;
	p2 =	por !p2, p0  }
0x20: {  	[sflag:s8] =	ssyncset.s32 @!p0 $0xFFFFF086;
	s6 =	sadd.s32 @!p0 s3, s7;
	s7 =	simm.s32 @!p0 $0x108  }
0x21: {  	s3 =	sadd.s32 s3, s9;
	s6 =	sadd.s32 @!p0 $0x88, s6;
	s7 =	simm.s32 @p2 $0x1082  }
0x22: {  	[simem:s7], [sflag:s8] =	dma.local @!p0 [hbm:s6], $0xF7A  }
0x23: {  	s9 =	sor.u32 $0xD0000000, s2;
	s6 =	simm.s32 $0x108;
	_ =	swait.ge @!p0 [sflag:s8], $0x0  }
0x24: {  	s3 =	sadd.s32 $0x88, s3;
	s6 =	simm.s32 @!p1 $0x1082;
	[sflag:s4] =	ssyncset.s32 $0xFFFFF086  }
0x25: {  	[simem:s6], [sflag:s4] =	dma.local [hbm:s3], $0xF7A  }
0x26: {  	[smem:$0x3F99] =	sst s1;
	(tag) =	ssettag s2;
	_ =	strace s9  }
0x27: {  	s1 =	sld [smem:$0x3FA9]  }
0x28: {  	s2 =	sld [smem:$0x3FAA]  }
0x29: {  	s4 =	sld [smem:$0x3FAC]  }
0x2a: {  	p0 =	seq.s32 s5, $0x0;
	s5 =	sld [smem:$0x3FAD]  }
0x2b: {  	s6 =	sld [smem:$0x3FAE]  }
0x2c: {  	s7 =	sld [smem:$0x3FAF]  }
0x2d: {  	s3 =	simm.s32 $0x108;
	s8 =	sld [smem:$0x3FB0]  }
0x2e: {  	s3 =	simm.s32 @!p0 $0x1082;
	s9 =	sld [smem:$0x3FB1]  }
0x2f: {  	lr =	sadd.s32 s0, s3;
	s0 =	sld [smem:$0x3FA8]  }
0x30: {  	s3 =	sld [smem:$0x3FAB]  }
0x31: {  	[smem:$0x3FB4] =	sst s10  }
0x32: {  	s10 =	sld [smem:$0x3FB2];
	_ =	sdelay $0x3  }
0x33: {  	p0 =	seq.s32 s10, $0x1;
	s10 =	sld [smem:$0x3FB4];
	_ =	sdelay $0x3  }
0x34: {  	[smem:$0x3FB4] =	sst s10  }
0x35: {  	s10 =	sld [smem:$0x3FB3];
	_ =	sdelay $0x3  }
0x36: {  	p1 =	seq.s32 s10, $0x1;
	s10 =	sld [smem:$0x3FB4];
	_ =	sdelay $0x3  }
0x37: {  	[smem:$0x3FB4] =	sst s10  }
0x38: {  	s10 =	sld [smem:$0x3FB5]  }
0x39: {  	_ = 	snop;
	(pc) =	sbr.ind lr, $3  }
0x3a: {  	_ = 	snop  }
0x3b: {  	_ = 	snop  }
0x3c: {  	p2 =	seq.s32 s10, $0x1;
	s10 =	sld [smem:$0x3FB4]  }
0x3d: {  	_ =	shalt  }
0x3e: {  	_ =	shalt  }
0x3f: {  	_ =	shalt  }
0x40: {  	_ =	shalt  }
0x41: {  	_ =	shalt  }
0x42: {  	_ =	shalt  }
0x43: {  	_ =	shalt  }
0x44: {  	_ =	shalt  }
0x45: {  	_ =	shalt  }
0x46: {  	_ =	shalt  }
0x47: {  	_ =	shalt  }
0x48: {  	_ =	shalt  }
0x49: {  	_ =	shalt  }
0x4a: {  	_ =	shalt  }
0x4b: {  	_ =	shalt  }
0x4c: {  	_ =	shalt  }
0x4d: {  	_ =	shalt  }
0x4e: {  	_ =	shalt  }
0x4f: {  	_ =	shalt  }
0x50: {  	_ =	shalt  }
0x51: {  	_ =	shalt  }
0x52: {  	_ =	shalt  }
0x53: {  	_ =	shalt  }
0x54: {  	_ =	shalt  }
0x55: {  	_ =	shalt  }
0x56: {  	_ =	shalt  }
0x57: {  	_ =	shalt  }
0x58: {  	_ =	shalt  }
0x59: {  	_ =	shalt  }
0x5a: {  	_ =	shalt  }
0x5b: {  	_ =	shalt  }
0x5c: {  	_ =	shalt  }
0x5d: {  	_ =	shalt  }
0x5e: {  	_ =	shalt  }
0x5f: {  	_ =	shalt  }
0x60: {  	_ =	shalt  }
0x61: {  	_ =	shalt  }
0x62: {  	_ =	shalt  }
0x63: {  	_ =	shalt  }
0x64: {  	_ =	shalt  }
0x65: {  	_ =	shalt  }
0x66: {  	_ =	shalt  }
0x67: {  	_ =	shalt  }
0x68: {  	_ =	shalt  }
0x69: {  	_ =	shalt  }
0x6a: {  	_ =	shalt  }
0x6b: {  	_ =	shalt  }
0x6c: {  	_ =	shalt  }
0x6d: {  	_ =	shalt  }
0x6e: {  	_ =	shalt  }
0x6f: {  	_ =	shalt  }
0x70: {  	_ =	shalt  }
0x71: {  	_ =	shalt  }
0x72: {  	_ =	shalt  }
0x73: {  	_ =	shalt  }
0x74: {  	_ =	shalt  }
0x75: {  	_ =	shalt  }
0x76: {  	_ =	shalt  }
0x77: {  	_ =	shalt  }
0x78: {  	_ =	shalt  }
0x79: {  	_ =	shalt  }
0x7a: {  	_ =	shalt  }
0x7b: {  	_ =	shalt  }
0x7c: {  	_ =	shalt  }
0x7d: {  	_ =	shalt  }
0x7e: {  	_ =	shalt  }
0x7f: {  	_ =	shalt  }
0x80: {  	_ =	shalt  }
0x81: {  	_ =	shalt  }
0x82: {  	_ =	shalt  }
0x83: {  	_ =	shalt  }
0x84: {  	_ =	shalt  }
0x85: {  	_ =	shalt  }
0x86: {  	_ =	shalt  }
0x87: {  	_ =	shalt  }
.Lfunc_end0:
.L_simem_size_0:
called_computation.1_lowered:
.L_overlay_start_0:
0x88: {  	s2 =	sld [smem:$0x3FD9]  }
0x89: {  	s3 =	sld [smem:$0x3FFE];
	_ =	sdelay $0x1  }
0x8a: {  	s1 =	srdreg.scid  }
0x8b: {  	s0 =	sand.u32 $0x1, s1  }
0x8c: {  	s17 =	sshll.u32 s0, $0xA;
	s2 =	sadd.s32 s3, s2  }
0x8d: {  	s2 =	sadd.s32 s2, s17  }
0x8e: {  	[smem:$0x3FC0] =	sst s2  }
0x8f: {  	_ = 	snop  }
0x90: {  	s2 =	sld [smem:$0x3FD0];
	(tm) =	ssettm $0x1  }
0x91: {  	s18 =	sld [smem:$0x3FFB];
	_ =	sdelay $0x3  }
0x92: {  	_ =	strace s18  }
0x93: {  	s3 =	sld [smem:$0x3FFC];
	_ =	sdelay $0x3  }
0x94: {  	_ =	strace s3  }
0x95: {  	s3 =	sld [smem:$0x3FFD];
	_ =	sdelay $0x3  }
0x96: {  	_ =	strace s3  }
0x97: {  	_ =	strace $0x8FFFFFFF  }
0x98: {  	s19 =	sld [smem:$0x3FDB];
	_ =	sdelay $0x1  }
0x99: {  	s4 =	simm.s32 $_scs_section_size  }
0x9a: {  	s5 =	simm.s32 $_size__tile_overlayer_lowered;
	s6 =	simm.s32 $_tile_overlayer_lowered  }
0x9b: {  	s22 =	simm.s32 $0x1BFF;
	s21 =	sshll.u32 s6, $0x1;
	s3 =	sadd.s32 s4, s19  }
0x9c: {  	s7 =	simm.s32 $0x0;
	s20 =	sshll.u32 s5, $0x1;
	s5 =	sadd.s32 s21, s3  }
0x9d: {  	[timem:s7], [sflag:s22] =	dma.local [hbm:s5], s20  }
0x9e: {  	_ =	swait.ge [sflag:s22], s20  }
0x9f: {  	s4 =	ssub.s32 $0x0, s20;
	[sflag:s22] =	ssyncset.done $0x0  }
0xa0: {  	[sflag:s22] =	ssyncadd.s32 s4;
	_ =	sdelay $0x1  }
0xa1: {  	s23 =	simm.s32 $0x1B8B  }
0xa2: {  	_ =	swait.ge [sflag:s23], $0x1  }
0xa3: {  	[sflag:s23] =	ssyncset.done $0x0  }
0xa4: {  	s25 =	simm.s32 $0x1B8E;
	s24 =	sld [smem:$0x3FFE];
	[sflag:s23] =	ssyncadd.s32 $0xFFFFFFFF  }
0xa5: {  	s26 =	simm.s32 $execute0_lowered;
	[smem:$0x3FD2] =	sst s25  }
0xa6: {  	s5 =	sshll.u32 s26, $0x1;
	_ =	strace $0x80000049;
	[dreg:$0x1] =	wrdreg $0xFFFFFFFF  }
0xa7: {  	s28 =	simm.s32 $_size_execute0_lowered;
	s3 =	sadd.s32 s3, s5;
	[dreg:$0x0] =	wrdreg $0x0  }
0xa8: {  	s5 =	sshll.u32 s28, $0x1;
	[dreg:$0x2] =	wrdreg s3  }
0xa9: {  	[dreg:$0x3] =	wrdreg s5  }
0xaa: {  	[dreg:$0x4] =	wrdreg $0xC0  }
0xab: {  	_ =	task [dreg:s7], $0x5FFFF  }
0xac: {  	[dreg:$0x1] =	wrdreg $0xFFFFFFFF  }
0xad: {  	[dreg:$0x0] =	wrdreg $0x60  }
0xae: {  	[dreg:$0x2] =	wrdreg s2  }
0xaf: {  	[dreg:$0x3] =	wrdreg s24  }
0xb0: {  	[dreg:$0x4] =	wrdreg $0x9  }
0xb1: {  	_ =	task.clear_ibuf [dreg:s7], $0x5FFFF;
	_ =	strace $0x90000049  }
0xb2: {  	s29 =	simm.s32 $0x9;
	_ =	strace $0x8000004B  }
0xb3: {  	_ =	swait.ge [sflag:s29], $0x1  }
0xb4: {  	[sflag:s29] =	ssyncadd.s32 $0xFFFFFFFF  }
0xb5: {  	_ =	strace $0x9000004B  }
0xb6: {  	_ =	sfence  }
0xb7: {  	s30 =	sld [smem:$0x0];
	_ =	sdelay $0x2  }
0xb8: {  	s31 =	sshll.u32 s1, $0xD;
	s1 =	sshrl.u32 s1, $0x2  }
0xb9: {  	s3 =	sand.u32 $0x4000, s31;
	s1 =	sadd.s32 s1, s30  }
0xba: {  	s0 =	sor.u32 s3, s0;
	s1 =	sshll.u32 s1, $0x11  }
0xbb: {  	s0 =	sor.u32 s1, s0  }
0xbc: {  	s0 =	sadd.s32 $0x8F2B, s0  }
0xbd: {  	[sflag:s0] =	ssyncadd.remote.s32 $0x1  }
0xbe: {  	_ =	sfence.sel $0xFFFF  }
0xbf: {  	[dreg:$0x0] =	wrdreg $0xFFFFFFFF;
	(pc) =	sbr.abs _section_cstart, $3  }
0xc0: {  	[dreg:$0x1] =	wrdreg $0xFFFFFFFF  }
0xc1: {  	_ =	task.clear_ibuf [dreg:s7], $0x2FFFF;
	_ =	strace $0x9FFFFFFF  }
0xc2: {  	(tm) =	ssettm $0x7FFFFFFF  }
0xc3: {  	_ =	shalt  }
tec
execute0_lowered:
.L_overlay_start_1:
0x0: {  	(tag) =	ssettag $0x1  }
0x1: {  	s0 =	rddreg [dreg:$0x0]  }
0x2: {  	s1 =	rddreg [dreg:$0x1];
	s3 =	srdreg.scid  }
0x3: {  	s2 =	simm.s32 $0x0;
	s5 =	stileid.u32;
	s10 =	simm.s32 $0x880  }
0x4: {  	s11 =	simm.s32 $0x1080;
	s12 =	simm.s32 $0x1880;
	s13 =	simm.s32 $0x2080  }
0x5: {  	s14 =	simm.s32 $0x2880;
	s15 =	simm.s32 $0x3080;
	s16 =	simm.s32 $0x3880  }
0x6: {  	s17 =	simm.s32 $0x4080;
	s18 =	simm.s32 $0x4880;
	s19 =	simm.s32 $0x5080  }
0x7: {  	s20 =	simm.s32 $0x5880;
	s21 =	simm.s32 $0x6080;
	s28 =	simm.s32 $0x9080  }
0x8: {  	s29 =	simm.s32 $0x9880;
	s30 =	simm.s32 $0xA080;
	s31 =	simm.s32 $0xA880  }
0x9: {  	s4 =	sand.u32 $0x1, s3;
	[smem:$0x7FF] =	sst s2;
	s22 =	sshll.u32 s5, $0x6  }
0xa: {  	s3 =	sadd.s32 $0x17BA00, s1;
	s6 =	sadd.s32 $0x1A00, s1;
	s23 =	sshll.u32 s4, $0x5  }
0xb: {  	_ =	strace $0x8000004A;
	s4 =	ssub.s32 $0x2, s4;
	s5 =	sor.u32 s23, s22  }
0xc: {  	s9 =	sshrl.u32 s4, $0x1;
	s22 =	simm.s32 $0x6880;
	s23 =	simm.s32 $0x7080  }
0xd: {  	s7 =	smul.u32 $0x300, s5;
	s8 =	sadd.s32 s0, s5;
	s5 =	sor.u32 $0x10, s5  }
0xe: {  	s25 =	ssub.s32 s4, s9;
	s4 =	sadd.s32 $0x17BB00, s1;
	[dreg:$0x3] =	wrdreg s8  }
0xf: {  	s24 =	smul.u32 $0x300, s5;
	s0 =	sadd.s32 s0, s5;
	s5 =	sadd.s32 $0x17BC00, s1  }
0x10: {  	s1 =	simm.s32 $0x1;
	s7 =	sadd.s32 s6, s7;
	[dreg:$0x5] =	wrdreg s0  }
0x11: {  	v2 =	vlaneseq.u32;
	s8 =	simm.s32 $0xB880;
	[dreg:$0x4] =	wrdreg s7;
	s26 =	sadd.s32 s6, s24  }
0x12: {  	vm0 =	vmmov $0xffff;
	v1 =	vshrl.u32 v2, $0x3;
	s6 =	smax.u32 s25, $0x1;
	s7 =	simm.s32 $0x2;
	s24 =	simm.s32 $0x7880  }
0x13: {  	v0 =	vand.u32 $0x7, v2;
	v2 =	vor.u32 $0x8, v2;
	v1 =	vmul.u32 $0x8, v1;
	s25 =	simm.s32 $0x8080;
	[dreg:$0x6] =	wrdreg s26;
	s26 =	simm.s32 $0x8880  }
.LBB2_1:
0x14: {  	s9 =	rddreg [dreg:$0x3]  }
0x15: {  	[tilespmem:s2], [sflag:$0x2] =	stream.linear.gather [hbm4b:s9+s2], $0x80, $0x38;
	[tilespmem:$0x18080] =	vst v63  }
0x16: {  	_ =	swait.ge [sflag:s7], $0x80  }
0x17: {  	[sflag:s7] =	ssyncset.done $0x0  }
0x18: {  	[sflag:s7] =	ssyncadd.s32 $0xFFFFFF80  }
0x19: {  	v3 =	vld [tilespmem:$0x0];
	_ =	sdelay $0x4  }
0x1a: {  	v4 =	vshrl.u32 v3, $0x3  }
0x1b: {  	v4 =	vmul.u32 $0x30, v4  }
0x1c: {  	v3 =	vand.u32 $0x7, v3  }
0x1d: {  	v3 =	vor.u32 v3, v4  }
0x1e: {  	v4 =	vperm.xlane v3, v0;
	_ =	sdelay $0x1  }
0x1f: {  	v4 =	vadd.s32 v1, v4;
	_ =	sdelay $0x3  }
0x20: {  	s0 =	simm.s32 $0x80;
	v3 =	vperm.xlane v3, v2  }
0x21: {  	[tilespmem:s0], [sflag:$0x1] =	stream.indirect_vreg.gather [hbm4b:s3+s2], $0x80, v4, vm0, $0xb8;
	[tilespmem:$0x18080] =	vst v63  }
0x22: {  	v3 =	vadd.s32 v1, v3  }
0x23: {  	[tilespmem:s10], [sflag:$0x1] =	stream.indirect_vreg.gather [hbm4b:s4+s2], $0x80, v4, vm0, $0xb8;
	[tilespmem:$0x18080] =	vst v63  }
0x24: {  	_ = 	snop  }
0x25: {  	[tilespmem:s11], [sflag:$0x1] =	stream.indirect_vreg.gather [hbm4b:s5+s2], $0x80, v4, vm0, $0xb8;
	[tilespmem:$0x18080] =	vst v63  }
0x26: {  	_ = 	snop  }
0x27: {  	[tilespmem:s12], [sflag:$0x1] =	stream.indirect_vreg.gather [hbm4b:s3+s2], $0x80, v3, vm0, $0xb8;
	[tilespmem:$0x18080] =	vst v63  }
0x28: {  	_ = 	snop  }
0x29: {  	[tilespmem:s13], [sflag:$0x1] =	stream.indirect_vreg.gather [hbm4b:s4+s2], $0x80, v3, vm0, $0xb8;
	[tilespmem:$0x18080] =	vst v63  }
0x2a: {  	_ = 	snop  }
0x2b: {  	[tilespmem:s14], [sflag:$0x1] =	stream.indirect_vreg.gather [hbm4b:s5+s2], $0x80, v3, vm0, $0xb8;
	[tilespmem:$0x18080] =	vst v63  }
0x2c: {  	v3 =	vld [tilespmem:$0x10];
	_ =	sdelay $0x4  }
0x2d: {  	v49 =	vshrl.u32 v3, $0x3  }
0x2e: {  	v4 =	vmul.u32 $0x30, v49  }
0x2f: {  	v3 =	vand.u32 $0x7, v3  }
0x30: {  	v3 =	vor.u32 v3, v4  }
0x31: {  	v4 =	vperm.xlane v3, v0;
	_ =	sdelay $0x1  }
0x32: {  	v4 =	vadd.s32 v1, v4;
	_ =	sdelay $0x3  }
0x33: {  	v3 =	vperm.xlane v3, v2  }
0x34: {  	[tilespmem:s15], [sflag:$0x1] =	stream.indirect_vreg.gather [hbm4b:s3+s2], $0x80, v4, vm0, $0xb8;
	[tilespmem:$0x18080] =	vst v63  }
0x35: {  	v3 =	vadd.s32 v1, v3  }
0x36: {  	[tilespmem:s16], [sflag:$0x1] =	stream.indirect_vreg.gather [hbm4b:s4+s2], $0x80, v4, vm0, $0xb8;
	[tilespmem:$0x18080] =	vst v63  }
0x37: {  	_ = 	snop  }
0x38: {  	[tilespmem:s17], [sflag:$0x1] =	stream.indirect_vreg.gather [hbm4b:s5+s2], $0x80, v4, vm0, $0xb8;
	[tilespmem:$0x18080] =	vst v63  }
0x39: {  	_ = 	snop  }
0x3a: {  	[tilespmem:s18], [sflag:$0x1] =	stream.indirect_vreg.gather [hbm4b:s3+s2], $0x80, v3, vm0, $0xb8;
	[tilespmem:$0x18080] =	vst v63  }
0x3b: {  	_ = 	snop  }
0x3c: {  	[tilespmem:s19], [sflag:$0x1] =	stream.indirect_vreg.gather [hbm4b:s4+s2], $0x80, v3, vm0, $0xb8;
	[tilespmem:$0x18080] =	vst v63  }
0x3d: {  	_ = 	snop  }
0x3e: {  	[tilespmem:s20], [sflag:$0x1] =	stream.indirect_vreg.gather [hbm4b:s5+s2], $0x80, v3, vm0, $0xb8;
	[tilespmem:$0x18080] =	vst v63  }
0x3f: {  	v3 =	vld [tilespmem:$0x20];
	_ =	sdelay $0x4  }
0x40: {  	v50 =	vshrl.u32 v3, $0x3  }
0x41: {  	v4 =	vmul.u32 $0x30, v50  }
0x42: {  	v3 =	vand.u32 $0x7, v3  }
0x43: {  	v3 =	vor.u32 v3, v4  }
0x44: {  	v4 =	vperm.xlane v3, v0;
	_ =	sdelay $0x1  }
0x45: {  	v4 =	vadd.s32 v1, v4;
	_ =	sdelay $0x3  }
0x46: {  	v3 =	vperm.xlane v3, v2  }
0x47: {  	[tilespmem:s21], [sflag:$0x1] =	stream.indirect_vreg.gather [hbm4b:s3+s2], $0x80, v4, vm0, $0xb8;
	[tilespmem:$0x18080] =	vst v63  }
0x48: {  	v3 =	vadd.s32 v1, v3  }
0x49: {  	[tilespmem:s22], [sflag:$0x1] =	stream.indirect_vreg.gather [hbm4b:s4+s2], $0x80, v4, vm0, $0xb8;
	[tilespmem:$0x18080] =	vst v63  }
0x4a: {  	_ = 	snop  }
0x4b: {  	[tilespmem:s23], [sflag:$0x1] =	stream.indirect_vreg.gather [hbm4b:s5+s2], $0x80, v4, vm0, $0xb8;
	[tilespmem:$0x18080] =	vst v63  }
0x4c: {  	_ = 	snop  }
0x4d: {  	[tilespmem:s24], [sflag:$0x1] =	stream.indirect_vreg.gather [hbm4b:s3+s2], $0x80, v3, vm0, $0xb8;
	[tilespmem:$0x18080] =	vst v63  }
0x4e: {  	_ = 	snop  }
0x4f: {  	[tilespmem:s25], [sflag:$0x1] =	stream.indirect_vreg.gather [hbm4b:s4+s2], $0x80, v3, vm0, $0xb8;
	[tilespmem:$0x18080] =	vst v63  }
0x50: {  	_ = 	snop  }
0x51: {  	[tilespmem:s26], [sflag:$0x1] =	stream.indirect_vreg.gather [hbm4b:s5+s2], $0x80, v3, vm0, $0xb8;
	[tilespmem:$0x18080] =	vst v63  }
0x52: {  	v3 =	vld [tilespmem:$0x30];
	_ =	sdelay $0x4  }
0x53: {  	v51 =	vshrl.u32 v3, $0x3  }
0x54: {  	v4 =	vmul.u32 $0x30, v51  }
0x55: {  	v3 =	vand.u32 $0x7, v3  }
0x56: {  	v3 =	vor.u32 v3, v4  }
0x57: {  	v4 =	vperm.xlane v3, v0;
	_ =	sdelay $0x1  }
0x58: {  	v4 =	vadd.s32 v1, v4;
	_ =	sdelay $0x3  }
0x59: {  	v3 =	vperm.xlane v3, v2  }
0x5a: {  	[tilespmem:s28], [sflag:$0x1] =	stream.indirect_vreg.gather [hbm4b:s3+s2], $0x80, v4, vm0, $0xb8;
	[tilespmem:$0x18080] =	vst v63  }
0x5b: {  	v3 =	vadd.s32 v1, v3  }
0x5c: {  	[tilespmem:s29], [sflag:$0x1] =	stream.indirect_vreg.gather [hbm4b:s4+s2], $0x80, v4, vm0, $0xb8;
	[tilespmem:$0x18080] =	vst v63  }
0x5d: {  	_ = 	snop  }
0x5e: {  	[tilespmem:s30], [sflag:$0x1] =	stream.indirect_vreg.gather [hbm4b:s5+s2], $0x80, v4, vm0, $0xb8;
	[tilespmem:$0x18080] =	vst v63  }
0x5f: {  	_ = 	snop  }
0x60: {  	[tilespmem:s31], [sflag:$0x1] =	stream.indirect_vreg.gather [hbm4b:s3+s2], $0x80, v3, vm0, $0xb8;
	[tilespmem:$0x18080] =	vst v63  }
0x61: {  	s9 =	simm.s32 $0xB080  }
0x62: {  	[tilespmem:s9], [sflag:$0x1] =	stream.indirect_vreg.gather [hbm4b:s4+s2], $0x80, v3, vm0, $0xb8;
	[tilespmem:$0x18080] =	vst v63  }
0x63: {  	_ = 	snop  }
0x64: {  	[tilespmem:s8], [sflag:$0x1] =	stream.indirect_vreg.gather [hbm4b:s5+s2], $0x80, v3, vm0, $0xb8;
	[tilespmem:$0x18080] =	vst v63  }
0x65: {  	v3 =	vld [tilespmem:$0x40];
	_ =	sdelay $0x4  }
0x66: {  	v52 =	vshrl.u32 v3, $0x3  }
0x67: {  	v4 =	vmul.u32 $0x30, v52  }
0x68: {  	v3 =	vand.u32 $0x7, v3  }
0x69: {  	v3 =	vor.u32 v3, v4  }
0x6a: {  	v4 =	vperm.xlane v3, v0;
	_ =	sdelay $0x1  }
0x6b: {  	v4 =	vadd.s32 v1, v4;
	_ =	sdelay $0x3  }
0x6c: {  	s9 =	simm.s32 $0xC080;
	v3 =	vperm.xlane v3, v2  }
0x6d: {  	[tilespmem:s9], [sflag:$0x1] =	stream.indirect_vreg.gather [hbm4b:s3+s2], $0x80, v4, vm0, $0xb8;
	[tilespmem:$0x18080] =	vst v63  }
0x6e: {  	v3 =	vadd.s32 v1, v3;
	s9 =	simm.s32 $0xC880  }
0x6f: {  	[tilespmem:s9], [sflag:$0x1] =	stream.indirect_vreg.gather [hbm4b:s4+s2], $0x80, v4, vm0, $0xb8;
	[tilespmem:$0x18080] =	vst v63  }
0x70: {  	s9 =	simm.s32 $0xD080  }
0x71: {  	[tilespmem:s9], [sflag:$0x1] =	stream.indirect_vreg.gather [hbm4b:s5+s2], $0x80, v4, vm0, $0xb8;
	[tilespmem:$0x18080] =	vst v63  }
0x72: {  	s9 =	simm.s32 $0xD880  }
0x73: {  	[tilespmem:s9], [sflag:$0x1] =	stream.indirect_vreg.gather [hbm4b:s3+s2], $0x80, v3, vm0, $0xb8;
	[tilespmem:$0x18080] =	vst v63  }
0x74: {  	s9 =	simm.s32 $0xE080  }
0x75: {  	[tilespmem:s9], [sflag:$0x1] =	stream.indirect_vreg.gather [hbm4b:s4+s2], $0x80, v3, vm0, $0xb8;
	[tilespmem:$0x18080] =	vst v63  }
0x76: {  	s9 =	simm.s32 $0xE880  }
0x77: {  	[tilespmem:s9], [sflag:$0x1] =	stream.indirect_vreg.gather [hbm4b:s5+s2], $0x80, v3, vm0, $0xb8;
	[tilespmem:$0x18080] =	vst v63  }
0x78: {  	v3 =	vld [tilespmem:$0x50];
	_ =	sdelay $0x4  }
0x79: {  	v53 =	vshrl.u32 v3, $0x3  }
0x7a: {  	v4 =	vmul.u32 $0x30, v53  }
0x7b: {  	v3 =	vand.u32 $0x7, v3  }
0x7c: {  	v3 =	vor.u32 v3, v4  }
0x7d: {  	v4 =	vperm.xlane v3, v0;
	_ =	sdelay $0x1  }
0x7e: {  	v4 =	vadd.s32 v1, v4;
	_ =	sdelay $0x3  }
0x7f: {  	s9 =	simm.s32 $0xF080;
	v3 =	vperm.xlane v3, v2  }
0x80: {  	[tilespmem:s9], [sflag:$0x1] =	stream.indirect_vreg.gather [hbm4b:s3+s2], $0x80, v4, vm0, $0xb8;
	[tilespmem:$0x18080] =	vst v63  }
0x81: {  	v3 =	vadd.s32 v1, v3;
	s9 =	simm.s32 $0xF880  }
0x82: {  	[tilespmem:s9], [sflag:$0x1] =	stream.indirect_vreg.gather [hbm4b:s4+s2], $0x80, v4, vm0, $0xb8;
	[tilespmem:$0x18080] =	vst v63  }
0x83: {  	s9 =	simm.s32 $0x10080  }
0x84: {  	[tilespmem:s9], [sflag:$0x1] =	stream.indirect_vreg.gather [hbm4b:s5+s2], $0x80, v4, vm0, $0xb8;
	[tilespmem:$0x18080] =	vst v63  }
0x85: {  	s9 =	simm.s32 $0x10880  }
0x86: {  	[tilespmem:s9], [sflag:$0x1] =	stream.indirect_vreg.gather [hbm4b:s3+s2], $0x80, v3, vm0, $0xb8;
	[tilespmem:$0x18080] =	vst v63  }
0x87: {  	s9 =	simm.s32 $0x11080  }
0x88: {  	[tilespmem:s9], [sflag:$0x1] =	stream.indirect_vreg.gather [hbm4b:s4+s2], $0x80, v3, vm0, $0xb8;
	[tilespmem:$0x18080] =	vst v63  }
0x89: {  	s9 =	simm.s32 $0x11880  }
0x8a: {  	[tilespmem:s9], [sflag:$0x1] =	stream.indirect_vreg.gather [hbm4b:s5+s2], $0x80, v3, vm0, $0xb8;
	[tilespmem:$0x18080] =	vst v63  }
0x8b: {  	v3 =	vld [tilespmem:$0x60];
	_ =	sdelay $0x4  }
0x8c: {  	v54 =	vshrl.u32 v3, $0x3  }
0x8d: {  	v4 =	vmul.u32 $0x30, v54  }
0x8e: {  	v3 =	vand.u32 $0x7, v3  }
0x8f: {  	v3 =	vor.u32 v3, v4  }
0x90: {  	v4 =	vperm.xlane v3, v0;
	_ =	sdelay $0x1  }
0x91: {  	v4 =	vadd.s32 v1, v4;
	_ =	sdelay $0x3  }
0x92: {  	s9 =	simm.s32 $0x12080;
	v3 =	vperm.xlane v3, v2  }
0x93: {  	[tilespmem:s9], [sflag:$0x1] =	stream.indirect_vreg.gather [hbm4b:s3+s2], $0x80, v4, vm0, $0xb8;
	[tilespmem:$0x18080] =	vst v63  }
0x94: {  	v3 =	vadd.s32 v1, v3;
	s9 =	simm.s32 $0x12880  }
0x95: {  	[tilespmem:s9], [sflag:$0x1] =	stream.indirect_vreg.gather [hbm4b:s4+s2], $0x80, v4, vm0, $0xb8;
	[tilespmem:$0x18080] =	vst v63  }
0x96: {  	s9 =	simm.s32 $0x13080  }
0x97: {  	[tilespmem:s9], [sflag:$0x1] =	stream.indirect_vreg.gather [hbm4b:s5+s2], $0x80, v4, vm0, $0xb8;
	[tilespmem:$0x18080] =	vst v63  }
0x98: {  	s9 =	simm.s32 $0x13880  }
0x99: {  	[tilespmem:s9], [sflag:$0x1] =	stream.indirect_vreg.gather [hbm4b:s3+s2], $0x80, v3, vm0, $0xb8;
	[tilespmem:$0x18080] =	vst v63  }
0x9a: {  	s9 =	simm.s32 $0x14080  }
0x9b: {  	[tilespmem:s9], [sflag:$0x1] =	stream.indirect_vreg.gather [hbm4b:s4+s2], $0x80, v3, vm0, $0xb8;
	[tilespmem:$0x18080] =	vst v63  }
0x9c: {  	s9 =	simm.s32 $0x14880  }
0x9d: {  	[tilespmem:s9], [sflag:$0x1] =	stream.indirect_vreg.gather [hbm4b:s5+s2], $0x80, v3, vm0, $0xb8;
	[tilespmem:$0x18080] =	vst v63  }
0x9e: {  	v3 =	vld [tilespmem:$0x70];
	_ =	sdelay $0x4  }
0x9f: {  	v55 =	vshrl.u32 v3, $0x3  }
0xa0: {  	v4 =	vmul.u32 $0x30, v55  }
0xa1: {  	v3 =	vand.u32 $0x7, v3  }
0xa2: {  	v3 =	vor.u32 v3, v4  }
0xa3: {  	v4 =	vperm.xlane v3, v0;
	_ =	sdelay $0x1  }
0xa4: {  	v4 =	vadd.s32 v1, v4;
	_ =	sdelay $0x3  }
0xa5: {  	s9 =	simm.s32 $0x15080;
	v3 =	vperm.xlane v3, v2  }
0xa6: {  	[tilespmem:s9], [sflag:$0x1] =	stream.indirect_vreg.gather [hbm4b:s3+s2], $0x80, v4, vm0, $0xb8;
	[tilespmem:$0x18080] =	vst v63  }
0xa7: {  	v3 =	vadd.s32 v1, v3;
	s9 =	simm.s32 $0x15880  }
0xa8: {  	[tilespmem:s9], [sflag:$0x1] =	stream.indirect_vreg.gather [hbm4b:s4+s2], $0x80, v4, vm0, $0xb8;
	[tilespmem:$0x18080] =	vst v63  }
0xa9: {  	s9 =	simm.s32 $0x16080  }
0xaa: {  	[tilespmem:s9], [sflag:$0x1] =	stream.indirect_vreg.gather [hbm4b:s5+s2], $0x80, v4, vm0, $0xb8;
	[tilespmem:$0x18080] =	vst v63  }
0xab: {  	s9 =	simm.s32 $0x16880  }
0xac: {  	[tilespmem:s9], [sflag:$0x1] =	stream.indirect_vreg.gather [hbm4b:s3+s2], $0x80, v3, vm0, $0xb8;
	[tilespmem:$0x18080] =	vst v63  }
0xad: {  	s9 =	simm.s32 $0x17080  }
0xae: {  	[tilespmem:s9], [sflag:$0x1] =	stream.indirect_vreg.gather [hbm4b:s4+s2], $0x80, v3, vm0, $0xb8;
	[tilespmem:$0x18080] =	vst v63  }
0xaf: {  	s9 =	simm.s32 $0x17880  }
0xb0: {  	[tilespmem:s9], [sflag:$0x1] =	stream.indirect_vreg.gather [hbm4b:s5+s2], $0x80, v3, vm0, $0xb8;
	[tilespmem:$0x18080] =	vst v63  }
0xb1: {  	_ =	swait.ge [sflag:s1], $0x18000  }
0xb2: {  	[sflag:s1] =	ssyncset.done $0x0  }
0xb3: {  	s0 =	simm.s32 $0x80;
	s9 =	rddreg [dreg:$0x4];
	[sflag:s1] =	ssyncadd.s32 $0xFFFE8000  }
0xb4: {  	[hbm4b:s9+s2] =	stream.linear.scatter [tilespmem:s0], [sflag:$0x2], $0x18000, $0x38;
	[tilespmem:$0x18080] =	vst v63  }
0xb5: {  	_ =	swait.ge [sflag:s7], $0x18000  }
0xb6: {  	[sflag:s7] =	ssyncset.done $0x0  }
0xb7: {  	s9 =	rddreg [dreg:$0x5];
	[sflag:s7] =	ssyncadd.s32 $0xFFFE8000  }
0xb8: {  	[tilespmem:s2], [sflag:$0x2] =	stream.linear.gather [hbm4b:s9+s2], $0x80, $0x38;
	[tilespmem:$0x18080] =	vst v63  }
0xb9: {  	_ =	swait.ge [sflag:s7], $0x80  }
0xba: {  	[sflag:s7] =	ssyncset.done $0x0  }
0xbb: {  	[sflag:s7] =	ssyncadd.s32 $0xFFFFFF80  }
0xbc: {  	v3 =	vld [tilespmem:$0x0];
	_ =	sdelay $0x4  }
0xbd: {  	v56 =	vshrl.u32 v3, $0x3  }
0xbe: {  	v4 =	vmul.u32 $0x30, v56  }
0xbf: {  	v3 =	vand.u32 $0x7, v3  }
0xc0: {  	v3 =	vor.u32 v3, v4  }
0xc1: {  	v4 =	vperm.xlane v3, v0;
	_ =	sdelay $0x1  }
0xc2: {  	v4 =	vadd.s32 v1, v4;
	_ =	sdelay $0x3  }
0xc3: {  	v3 =	vperm.xlane v3, v2  }
0xc4: {  	[tilespmem:s0], [sflag:$0x1] =	stream.indirect_vreg.gather [hbm4b:s3+s2], $0x80, v4, vm0, $0xb8;
	[tilespmem:$0x18080] =	vst v63  }
0xc5: {  	v3 =	vadd.s32 v1, v3  }
0xc6: {  	[tilespmem:s10], [sflag:$0x1] =	stream.indirect_vreg.gather [hbm4b:s4+s2], $0x80, v4, vm0, $0xb8;
	[tilespmem:$0x18080] =	vst v63  }
0xc7: {  	_ = 	snop  }
0xc8: {  	[tilespmem:s11], [sflag:$0x1] =	stream.indirect_vreg.gather [hbm4b:s5+s2], $0x80, v4, vm0, $0xb8;
	[tilespmem:$0x18080] =	vst v63  }
0xc9: {  	_ = 	snop  }
0xca: {  	[tilespmem:s12], [sflag:$0x1] =	stream.indirect_vreg.gather [hbm4b:s3+s2], $0x80, v3, vm0, $0xb8;
	[tilespmem:$0x18080] =	vst v63  }
0xcb: {  	_ = 	snop  }
0xcc: {  	[tilespmem:s13], [sflag:$0x1] =	stream.indirect_vreg.gather [hbm4b:s4+s2], $0x80, v3, vm0, $0xb8;
	[tilespmem:$0x18080] =	vst v63  }
0xcd: {  	_ = 	snop  }
0xce: {  	[tilespmem:s14], [sflag:$0x1] =	stream.indirect_vreg.gather [hbm4b:s5+s2], $0x80, v3, vm0, $0xb8;
	[tilespmem:$0x18080] =	vst v63  }
0xcf: {  	v3 =	vld [tilespmem:$0x10];
	_ =	sdelay $0x4  }
0xd0: {  	v57 =	vshrl.u32 v3, $0x3  }
0xd1: {  	v4 =	vmul.u32 $0x30, v57  }
0xd2: {  	v3 =	vand.u32 $0x7, v3  }
0xd3: {  	v3 =	vor.u32 v3, v4  }
0xd4: {  	v4 =	vperm.xlane v3, v0;
	_ =	sdelay $0x1  }
0xd5: {  	v4 =	vadd.s32 v1, v4;
	_ =	sdelay $0x3  }
0xd6: {  	v3 =	vperm.xlane v3, v2  }
0xd7: {  	[tilespmem:s15], [sflag:$0x1] =	stream.indirect_vreg.gather [hbm4b:s3+s2], $0x80, v4, vm0, $0xb8;
	[tilespmem:$0x18080] =	vst v63  }
0xd8: {  	v3 =	vadd.s32 v1, v3  }
0xd9: {  	[tilespmem:s16], [sflag:$0x1] =	stream.indirect_vreg.gather [hbm4b:s4+s2], $0x80, v4, vm0, $0xb8;
	[tilespmem:$0x18080] =	vst v63  }
0xda: {  	_ = 	snop  }
0xdb: {  	[tilespmem:s17], [sflag:$0x1] =	stream.indirect_vreg.gather [hbm4b:s5+s2], $0x80, v4, vm0, $0xb8;
	[tilespmem:$0x18080] =	vst v63  }
0xdc: {  	_ = 	snop  }
0xdd: {  	[tilespmem:s18], [sflag:$0x1] =	stream.indirect_vreg.gather [hbm4b:s3+s2], $0x80, v3, vm0, $0xb8;
	[tilespmem:$0x18080] =	vst v63  }
0xde: {  	_ = 	snop  }
0xdf: {  	[tilespmem:s19], [sflag:$0x1] =	stream.indirect_vreg.gather [hbm4b:s4+s2], $0x80, v3, vm0, $0xb8;
	[tilespmem:$0x18080] =	vst v63  }
0xe0: {  	_ = 	snop  }
0xe1: {  	[tilespmem:s20], [sflag:$0x1] =	stream.indirect_vreg.gather [hbm4b:s5+s2], $0x80, v3, vm0, $0xb8;
	[tilespmem:$0x18080] =	vst v63  }
0xe2: {  	v3 =	vld [tilespmem:$0x20];
	_ =	sdelay $0x4  }
0xe3: {  	v58 =	vshrl.u32 v3, $0x3  }
0xe4: {  	v4 =	vmul.u32 $0x30, v58  }
0xe5: {  	v3 =	vand.u32 $0x7, v3  }
0xe6: {  	v3 =	vor.u32 v3, v4  }
0xe7: {  	v4 =	vperm.xlane v3, v0;
	_ =	sdelay $0x1  }
0xe8: {  	v4 =	vadd.s32 v1, v4;
	_ =	sdelay $0x3  }
0xe9: {  	v3 =	vperm.xlane v3, v2  }
0xea: {  	[tilespmem:s21], [sflag:$0x1] =	stream.indirect_vreg.gather [hbm4b:s3+s2], $0x80, v4, vm0, $0xb8;
	[tilespmem:$0x18080] =	vst v63  }
0xeb: {  	v3 =	vadd.s32 v1, v3  }
0xec: {  	[tilespmem:s22], [sflag:$0x1] =	stream.indirect_vreg.gather [hbm4b:s4+s2], $0x80, v4, vm0, $0xb8;
	[tilespmem:$0x18080] =	vst v63  }
0xed: {  	_ = 	snop  }
0xee: {  	[tilespmem:s23], [sflag:$0x1] =	stream.indirect_vreg.gather [hbm4b:s5+s2], $0x80, v4, vm0, $0xb8;
	[tilespmem:$0x18080] =	vst v63  }
0xef: {  	_ = 	snop  }
0xf0: {  	[tilespmem:s24], [sflag:$0x1] =	stream.indirect_vreg.gather [hbm4b:s3+s2], $0x80, v3, vm0, $0xb8;
	[tilespmem:$0x18080] =	vst v63  }
0xf1: {  	_ = 	snop  }
0xf2: {  	[tilespmem:s25], [sflag:$0x1] =	stream.indirect_vreg.gather [hbm4b:s4+s2], $0x80, v3, vm0, $0xb8;
	[tilespmem:$0x18080] =	vst v63  }
0xf3: {  	_ = 	snop  }
0xf4: {  	[tilespmem:s26], [sflag:$0x1] =	stream.indirect_vreg.gather [hbm4b:s5+s2], $0x80, v3, vm0, $0xb8;
	[tilespmem:$0x18080] =	vst v63  }
0xf5: {  	v3 =	vld [tilespmem:$0x30];
	_ =	sdelay $0x4  }
0xf6: {  	v59 =	vshrl.u32 v3, $0x3  }
0xf7: {  	v4 =	vmul.u32 $0x30, v59  }
0xf8: {  	v3 =	vand.u32 $0x7, v3  }
0xf9: {  	v3 =	vor.u32 v3, v4  }
0xfa: {  	v4 =	vperm.xlane v3, v0;
	_ =	sdelay $0x1  }
0xfb: {  	v4 =	vadd.s32 v1, v4;
	_ =	sdelay $0x3  }
0xfc: {  	v3 =	vperm.xlane v3, v2  }
0xfd: {  	[tilespmem:s28], [sflag:$0x1] =	stream.indirect_vreg.gather [hbm4b:s3+s2], $0x80, v4, vm0, $0xb8;
	[tilespmem:$0x18080] =	vst v63  }
0xfe: {  	v3 =	vadd.s32 v1, v3  }
0xff: {  	[tilespmem:s29], [sflag:$0x1] =	stream.indirect_vreg.gather [hbm4b:s4+s2], $0x80, v4, vm0, $0xb8;
	[tilespmem:$0x18080] =	vst v63  }
0x100: {  	_ = 	snop  }
0x101: {  	[tilespmem:s30], [sflag:$0x1] =	stream.indirect_vreg.gather [hbm4b:s5+s2], $0x80, v4, vm0, $0xb8;
	[tilespmem:$0x18080] =	vst v63  }
0x102: {  	_ = 	snop  }
0x103: {  	[tilespmem:s31], [sflag:$0x1] =	stream.indirect_vreg.gather [hbm4b:s3+s2], $0x80, v3, vm0, $0xb8;
	[tilespmem:$0x18080] =	vst v63  }
0x104: {  	s9 =	simm.s32 $0xB080  }
0x105: {  	[tilespmem:s9], [sflag:$0x1] =	stream.indirect_vreg.gather [hbm4b:s4+s2], $0x80, v3, vm0, $0xb8;
	[tilespmem:$0x18080] =	vst v63  }
0x106: {  	_ = 	snop  }
0x107: {  	[tilespmem:s8], [sflag:$0x1] =	stream.indirect_vreg.gather [hbm4b:s5+s2], $0x80, v3, vm0, $0xb8;
	[tilespmem:$0x18080] =	vst v63  }
0x108: {  	v3 =	vld [tilespmem:$0x40];
	_ =	sdelay $0x4  }
0x109: {  	v60 =	vshrl.u32 v3, $0x3  }
0x10a: {  	v4 =	vmul.u32 $0x30, v60  }
0x10b: {  	v3 =	vand.u32 $0x7, v3  }
0x10c: {  	v3 =	vor.u32 v3, v4  }
0x10d: {  	v4 =	vperm.xlane v3, v0;
	_ =	sdelay $0x1  }
0x10e: {  	v4 =	vadd.s32 v1, v4;
	_ =	sdelay $0x3  }
0x10f: {  	s9 =	simm.s32 $0xC080;
	v3 =	vperm.xlane v3, v2  }
0x110: {  	[tilespmem:s9], [sflag:$0x1] =	stream.indirect_vreg.gather [hbm4b:s3+s2], $0x80, v4, vm0, $0xb8;
	[tilespmem:$0x18080] =	vst v63  }
0x111: {  	v3 =	vadd.s32 v1, v3;
	s9 =	simm.s32 $0xC880  }
0x112: {  	[tilespmem:s9], [sflag:$0x1] =	stream.indirect_vreg.gather [hbm4b:s4+s2], $0x80, v4, vm0, $0xb8;
	[tilespmem:$0x18080] =	vst v63  }
0x113: {  	s9 =	simm.s32 $0xD080  }
0x114: {  	[tilespmem:s9], [sflag:$0x1] =	stream.indirect_vreg.gather [hbm4b:s5+s2], $0x80, v4, vm0, $0xb8;
	[tilespmem:$0x18080] =	vst v63  }
0x115: {  	s9 =	simm.s32 $0xD880  }
0x116: {  	[tilespmem:s9], [sflag:$0x1] =	stream.indirect_vreg.gather [hbm4b:s3+s2], $0x80, v3, vm0, $0xb8;
	[tilespmem:$0x18080] =	vst v63  }
0x117: {  	s9 =	simm.s32 $0xE080  }
0x118: {  	[tilespmem:s9], [sflag:$0x1] =	stream.indirect_vreg.gather [hbm4b:s4+s2], $0x80, v3, vm0, $0xb8;
	[tilespmem:$0x18080] =	vst v63  }
0x119: {  	s9 =	simm.s32 $0xE880  }
0x11a: {  	[tilespmem:s9], [sflag:$0x1] =	stream.indirect_vreg.gather [hbm4b:s5+s2], $0x80, v3, vm0, $0xb8;
	[tilespmem:$0x18080] =	vst v63  }
0x11b: {  	v3 =	vld [tilespmem:$0x50];
	_ =	sdelay $0x4  }
0x11c: {  	v61 =	vshrl.u32 v3, $0x3  }
0x11d: {  	v4 =	vmul.u32 $0x30, v61  }
0x11e: {  	v3 =	vand.u32 $0x7, v3  }
0x11f: {  	v3 =	vor.u32 v3, v4  }
0x120: {  	v4 =	vperm.xlane v3, v0;
	_ =	sdelay $0x1  }
0x121: {  	v4 =	vadd.s32 v1, v4;
	_ =	sdelay $0x3  }
0x122: {  	s9 =	simm.s32 $0xF080;
	v3 =	vperm.xlane v3, v2  }
0x123: {  	[tilespmem:s9], [sflag:$0x1] =	stream.indirect_vreg.gather [hbm4b:s3+s2], $0x80, v4, vm0, $0xb8;
	[tilespmem:$0x18080] =	vst v63  }
0x124: {  	v3 =	vadd.s32 v1, v3;
	s9 =	simm.s32 $0xF880  }
0x125: {  	[tilespmem:s9], [sflag:$0x1] =	stream.indirect_vreg.gather [hbm4b:s4+s2], $0x80, v4, vm0, $0xb8;
	[tilespmem:$0x18080] =	vst v63  }
0x126: {  	s9 =	simm.s32 $0x10080  }
0x127: {  	[tilespmem:s9], [sflag:$0x1] =	stream.indirect_vreg.gather [hbm4b:s5+s2], $0x80, v4, vm0, $0xb8;
	[tilespmem:$0x18080] =	vst v63  }
0x128: {  	s9 =	simm.s32 $0x10880  }
0x129: {  	[tilespmem:s9], [sflag:$0x1] =	stream.indirect_vreg.gather [hbm4b:s3+s2], $0x80, v3, vm0, $0xb8;
	[tilespmem:$0x18080] =	vst v63  }
0x12a: {  	s9 =	simm.s32 $0x11080  }
0x12b: {  	[tilespmem:s9], [sflag:$0x1] =	stream.indirect_vreg.gather [hbm4b:s4+s2], $0x80, v3, vm0, $0xb8;
	[tilespmem:$0x18080] =	vst v63  }
0x12c: {  	s9 =	simm.s32 $0x11880  }
0x12d: {  	[tilespmem:s9], [sflag:$0x1] =	stream.indirect_vreg.gather [hbm4b:s5+s2], $0x80, v3, vm0, $0xb8;
	[tilespmem:$0x18080] =	vst v63  }
0x12e: {  	v3 =	vld [tilespmem:$0x60];
	_ =	sdelay $0x4  }
0x12f: {  	v62 =	vshrl.u32 v3, $0x3  }
0x130: {  	v4 =	vmul.u32 $0x30, v62  }
0x131: {  	v3 =	vand.u32 $0x7, v3  }
0x132: {  	v3 =	vor.u32 v3, v4  }
0x133: {  	v4 =	vperm.xlane v3, v0;
	_ =	sdelay $0x1  }
0x134: {  	v4 =	vadd.s32 v1, v4;
	_ =	sdelay $0x3  }
0x135: {  	s9 =	simm.s32 $0x12080;
	v3 =	vperm.xlane v3, v2  }
0x136: {  	[tilespmem:s9], [sflag:$0x1] =	stream.indirect_vreg.gather [hbm4b:s3+s2], $0x80, v4, vm0, $0xb8;
	[tilespmem:$0x18080] =	vst v63  }
0x137: {  	v3 =	vadd.s32 v1, v3;
	s9 =	simm.s32 $0x12880  }
0x138: {  	[tilespmem:s9], [sflag:$0x1] =	stream.indirect_vreg.gather [hbm4b:s4+s2], $0x80, v4, vm0, $0xb8;
	[tilespmem:$0x18080] =	vst v63  }
0x139: {  	s9 =	simm.s32 $0x13080  }
0x13a: {  	[tilespmem:s9], [sflag:$0x1] =	stream.indirect_vreg.gather [hbm4b:s5+s2], $0x80, v4, vm0, $0xb8;
	[tilespmem:$0x18080] =	vst v63  }
0x13b: {  	s9 =	simm.s32 $0x13880  }
0x13c: {  	[tilespmem:s9], [sflag:$0x1] =	stream.indirect_vreg.gather [hbm4b:s3+s2], $0x80, v3, vm0, $0xb8;
	[tilespmem:$0x18080] =	vst v63  }
0x13d: {  	s9 =	simm.s32 $0x14080  }
0x13e: {  	[tilespmem:s9], [sflag:$0x1] =	stream.indirect_vreg.gather [hbm4b:s4+s2], $0x80, v3, vm0, $0xb8;
	[tilespmem:$0x18080] =	vst v63  }
0x13f: {  	s9 =	simm.s32 $0x14880  }
0x140: {  	[tilespmem:s9], [sflag:$0x1] =	stream.indirect_vreg.gather [hbm4b:s5+s2], $0x80, v3, vm0, $0xb8;
	[tilespmem:$0x18080] =	vst v63  }
0x141: {  	v3 =	vld [tilespmem:$0x70];
	_ =	sdelay $0x4  }
0x142: {  	v63 =	vshrl.u32 v3, $0x3  }
0x143: {  	v4 =	vmul.u32 $0x30, v63  }
0x144: {  	v3 =	vand.u32 $0x7, v3  }
0x145: {  	v3 =	vor.u32 v3, v4  }
0x146: {  	v4 =	vperm.xlane v3, v0;
	_ =	sdelay $0x1  }
0x147: {  	v4 =	vadd.s32 v1, v4;
	_ =	sdelay $0x3  }
0x148: {  	s9 =	simm.s32 $0x15080;
	v3 =	vperm.xlane v3, v2  }
0x149: {  	[tilespmem:s9], [sflag:$0x1] =	stream.indirect_vreg.gather [hbm4b:s3+s2], $0x80, v4, vm0, $0xb8;
	[tilespmem:$0x18080] =	vst v63  }
0x14a: {  	v3 =	vadd.s32 v1, v3;
	s9 =	simm.s32 $0x15880  }
0x14b: {  	[tilespmem:s9], [sflag:$0x1] =	stream.indirect_vreg.gather [hbm4b:s4+s2], $0x80, v4, vm0, $0xb8;
	[tilespmem:$0x18080] =	vst v63  }
0x14c: {  	s9 =	simm.s32 $0x16080  }
0x14d: {  	[tilespmem:s9], [sflag:$0x1] =	stream.indirect_vreg.gather [hbm4b:s5+s2], $0x80, v4, vm0, $0xb8;
	[tilespmem:$0x18080] =	vst v63  }
0x14e: {  	s9 =	simm.s32 $0x16880  }
0x14f: {  	[tilespmem:s9], [sflag:$0x1] =	stream.indirect_vreg.gather [hbm4b:s3+s2], $0x80, v3, vm0, $0xb8;
	[tilespmem:$0x18080] =	vst v63  }
0x150: {  	s9 =	simm.s32 $0x17080  }
0x151: {  	[tilespmem:s9], [sflag:$0x1] =	stream.indirect_vreg.gather [hbm4b:s4+s2], $0x80, v3, vm0, $0xb8;
	[tilespmem:$0x18080] =	vst v63  }
0x152: {  	s9 =	simm.s32 $0x17880  }
0x153: {  	[tilespmem:s9], [sflag:$0x1] =	stream.indirect_vreg.gather [hbm4b:s5+s2], $0x80, v3, vm0, $0xb8;
	[tilespmem:$0x18080] =	vst v63  }
0x154: {  	_ =	swait.ge [sflag:s1], $0x18000  }
0x155: {  	p0 =	sne.s32 s6, $0x1;
	s0 =	simm.s32 $0x80;
	[sflag:s1] =	ssyncset.done $0x0  }
.Ltmp0:
0x156: {  	s9 =	rddreg [dreg:$0x6];
	[sflag:s1] =	ssyncadd.s32 $0xFFFE8000;
	(pc) =	sbr.rel @p0 .LBB2_1-.Ltmp0, $4  }
0x157: {  	[hbm4b:s9+s2] =	stream.linear.scatter [tilespmem:s0], [sflag:$0x2], $0x18000, $0x38;
	[tilespmem:$0x18080] =	vst v63  }
0x158: {  	_ =	swait.ge [sflag:s7], $0x18000  }
0x159: {  	[sflag:s7] =	ssyncset.done $0x0  }
0x15a: {  	s6 =	sadd.s32 $0xFFFFFFFF, s6;
	[sflag:s7] =	ssyncadd.s32 $0xFFFE8000  }
0x15b: {  	_ =	sfence.sel $0x180000  }
0x15c: {  	[bflag:$0x0] =	sbarrier.arrive $0xFFFF  }
0x15d: {  	_ =	strace $0x9000004A  }
0x15e: {  	s0 =	stileid.u32;
	[bflag:$0x2] =	sbarrier.arrive $0xFFFF  }
0x15f: {  	p0 =	sne.s32 s0, $0x0;
	s0 =	rddreg [dreg:$0x2]  }
0x160: {  	s0 =	sadd.s32 @!p0 $0x100000, s0  }
0x161: {  	[sflag:s0] =	ssyncadd.tile.s32 @!p0 $0x1;
	_ =	shalt  }
.Lfunc_end2:
_tile_overlayer_lowered:
.L_overlay_start_2:
0x162: {  	(tag) =	ssettag $0x2  }
0x163: {  	s0 =	rddreg [dreg:$0x0];
	s2 =	stileid.u32  }
0x164: {  	s1 =	rddreg [dreg:$0x1];
	p0 =	sne.s32 s2, $0x0  }
0x165: {  	s3 =	rddreg [dreg:$0x2];
	[bflag:$0x3] =	sbarrier.arrive $0xFFFF;
	s2 =	simm.s32 @!p0 $0x1C02  }
0x166: {  	[timem:s3], [sflag:s2] =	dma.local @!p0 [hbm:s0], s1  }
0x167: {  	s0 =	simm.s32 @!p0 $0x2  }
0x168: {  	_ =	swait.ge @!p0 [sflag:s0], s1  }
0x169: {  	s1 =	ssub.s32 @!p0 $0x0, s1;
	[sflag:s0] =	ssyncset.done @!p0 $0x0  }
0x16a: {  	[sflag:s0] =	ssyncadd.s32 @!p0 s1  }
0x16b: {  	[bflag:$0x3] =	sbarrier.arrive $0xFFFF  }
0x16c: {  	_ =	shalt  }

// kernel: kernel.8.cloned.1.call-start
scs
__scs_entry_jumppad:
0x0: {  	(pc) =	sbr.rel $0x88, $3  }
0x1: {  	(tag) =	ssettag $0x0;
	lr =	simm.s32 $0x1  }
0x2: {  	[smem:$0x3F99] =	sst lr;
	_ =	strace $0xD0000000  }
0x3: {  	_ = 	snop  }
0x4: {  	_ = 	snop  }
0x5: {  	_ = 	snop  }
0x6: {  	_ = 	snop  }
0x7: {  	_ = 	snop  }
__scs_overlays_trampoline_lowered:
0x8: {  	[smem:$0x3FA8] =	sst s0  }
0x9: {  	[smem:$0x3FA9] =	sst s1  }
0xa: {  	[smem:$0x3FAA] =	sst s2  }
0xb: {  	[smem:$0x3FAB] =	sst s3  }
0xc: {  	[smem:$0x3FAC] =	sst s4  }
0xd: {  	[smem:$0x3FAD] =	sst s5  }
0xe: {  	[smem:$0x3FAE] =	sst s6  }
0xf: {  	[smem:$0x3FAF] =	sst s7  }
0x10: {  	[smem:$0x3FB0] =	sst s8  }
0x11: {  	[smem:$0x3FB1] =	sst s9;
	s0 =	simm.s32 @!p0 $0x0  }
0x12: {  	s1 =	sld [smem:$0x3F97];
	s0 =	simm.s32 @p0 $0x1  }
0x13: {  	[smem:$0x3FB2] =	sst s0;
	s0 =	simm.s32 @!p1 $0x0  }
0x14: {  	s2 =	sld [smem:$0x3F96];
	s0 =	simm.s32 @p1 $0x1  }
0x15: {  	[smem:$0x3FB3] =	sst s0;
	s0 =	simm.s32 @!p2 $0x0  }
0x16: {  	s3 =	sld [smem:$0x3FDB];
	s0 =	simm.s32 @p2 $0x1  }
0x17: {  	s4 =	simm.s32 $0x1BF5;
	[smem:$0x3FB5] =	sst s0  }
0x18: {  	s0 =	sld [smem:$0x3F98];
	_ =	swait.ge [sflag:s4], $0x0  }
0x19: {  	s7 =	sld [smem:$0x3F99]  }
0x1a: {  	s8 =	sadd.s32 $0xFFFFE003, lr  }
0x1b: {  	s9 =	sadd.s32 $0xFFFFFEF7, lr;
	s5 =	simm.s32 $0xFFFFFFFF;
	p2 =	slt.u32 s8, $0xFFFFF086  }
0x1c: {  	p1 =	slt.u32 s9, $0xF7A;
	s5 =	simm.s32 @!p2 $0x0  }
0x1d: {  	s5 =	simm.s32 @p1 $0x1;
	p0 =	seq.s32 s7, s2  }
0x1e: {  	s7 =	smul.u32 @!p0 $0xF7A, s2;
	p2 =	seq.s32 @!p0 s5, $0x0  }
0x1f: {  	s9 =	smul.u32 $0xF7A, s1;
	s8 =	simm.s32 @!p0 $0x1BF5;
	p2 =	por !p2, p0  }
0x20: {  	[sflag:s8] =	ssyncset.s32 @!p0 $0xFFFFF086;
	s6 =	sadd.s32 @!p0 s3, s7;
	s7 =	simm.s32 @!p0 $0x108  }
0x21: {  	s3 =	sadd.s32 s3, s9;
	s6 =	sadd.s32 @!p0 $0x88, s6;
	s7 =	simm.s32 @p2 $0x1082  }
0x22: {  	[simem:s7], [sflag:s8] =	dma.local @!p0 [hbm:s6], $0xF7A  }
0x23: {  	s9 =	sor.u32 $0xD0000000, s2;
	s6 =	simm.s32 $0x108;
	_ =	swait.ge @!p0 [sflag:s8], $0x0  }
0x24: {  	s3 =	sadd.s32 $0x88, s3;
	s6 =	simm.s32 @!p1 $0x1082;
	[sflag:s4] =	ssyncset.s32 $0xFFFFF086  }
0x25: {  	[simem:s6], [sflag:s4] =	dma.local [hbm:s3], $0xF7A  }
0x26: {  	[smem:$0x3F99] =	sst s1;
	(tag) =	ssettag s2;
	_ =	strace s9  }
0x27: {  	s1 =	sld [smem:$0x3FA9]  }
0x28: {  	s2 =	sld [smem:$0x3FAA]  }
0x29: {  	s4 =	sld [smem:$0x3FAC]  }
0x2a: {  	p0 =	seq.s32 s5, $0x0;
	s5 =	sld [smem:$0x3FAD]  }
0x2b: {  	s6 =	sld [smem:$0x3FAE]  }
0x2c: {  	s7 =	sld [smem:$0x3FAF]  }
0x2d: {  	s3 =	simm.s32 $0x108;
	s8 =	sld [smem:$0x3FB0]  }
0x2e: {  	s3 =	simm.s32 @!p0 $0x1082;
	s9 =	sld [smem:$0x3FB1]  }
0x2f: {  	lr =	sadd.s32 s0, s3;
	s0 =	sld [smem:$0x3FA8]  }
0x30: {  	s3 =	sld [smem:$0x3FAB]  }
0x31: {  	[smem:$0x3FB4] =	sst s10  }
0x32: {  	s10 =	sld [smem:$0x3FB2];
	_ =	sdelay $0x3  }
0x33: {  	p0 =	seq.s32 s10, $0x1;
	s10 =	sld [smem:$0x3FB4];
	_ =	sdelay $0x3  }
0x34: {  	[smem:$0x3FB4] =	sst s10  }
0x35: {  	s10 =	sld [smem:$0x3FB3];
	_ =	sdelay $0x3  }
0x36: {  	p1 =	seq.s32 s10, $0x1;
	s10 =	sld [smem:$0x3FB4];
	_ =	sdelay $0x3  }
0x37: {  	[smem:$0x3FB4] =	sst s10  }
0x38: {  	s10 =	sld [smem:$0x3FB5]  }
0x39: {  	_ = 	snop;
	(pc) =	sbr.ind lr, $3  }
0x3a: {  	_ = 	snop  }
0x3b: {  	_ = 	snop  }
0x3c: {  	p2 =	seq.s32 s10, $0x1;
	s10 =	sld [smem:$0x3FB4]  }
0x3d: {  	_ =	shalt  }
0x3e: {  	_ =	shalt  }
0x3f: {  	_ =	shalt  }
0x40: {  	_ =	shalt  }
0x41: {  	_ =	shalt  }
0x42: {  	_ =	shalt  }
0x43: {  	_ =	shalt  }
0x44: {  	_ =	shalt  }
0x45: {  	_ =	shalt  }
0x46: {  	_ =	shalt  }
0x47: {  	_ =	shalt  }
0x48: {  	_ =	shalt  }
0x49: {  	_ =	shalt  }
0x4a: {  	_ =	shalt  }
0x4b: {  	_ =	shalt  }
0x4c: {  	_ =	shalt  }
0x4d: {  	_ =	shalt  }
0x4e: {  	_ =	shalt  }
0x4f: {  	_ =	shalt  }
0x50: {  	_ =	shalt  }
0x51: {  	_ =	shalt  }
0x52: {  	_ =	shalt  }
0x53: {  	_ =	shalt  }
0x54: {  	_ =	shalt  }
0x55: {  	_ =	shalt  }
0x56: {  	_ =	shalt  }
0x57: {  	_ =	shalt  }
0x58: {  	_ =	shalt  }
0x59: {  	_ =	shalt  }
0x5a: {  	_ =	shalt  }
0x5b: {  	_ =	shalt  }
0x5c: {  	_ =	shalt  }
0x5d: {  	_ =	shalt  }
0x5e: {  	_ =	shalt  }
0x5f: {  	_ =	shalt  }
0x60: {  	_ =	shalt  }
0x61: {  	_ =	shalt  }
0x62: {  	_ =	shalt  }
0x63: {  	_ =	shalt  }
0x64: {  	_ =	shalt  }
0x65: {  	_ =	shalt  }
0x66: {  	_ =	shalt  }
0x67: {  	_ =	shalt  }
0x68: {  	_ =	shalt  }
0x69: {  	_ =	shalt  }
0x6a: {  	_ =	shalt  }
0x6b: {  	_ =	shalt  }
0x6c: {  	_ =	shalt  }
0x6d: {  	_ =	shalt  }
0x6e: {  	_ =	shalt  }
0x6f: {  	_ =	shalt  }
0x70: {  	_ =	shalt  }
0x71: {  	_ =	shalt  }
0x72: {  	_ =	shalt  }
0x73: {  	_ =	shalt  }
0x74: {  	_ =	shalt  }
0x75: {  	_ =	shalt  }
0x76: {  	_ =	shalt  }
0x77: {  	_ =	shalt  }
0x78: {  	_ =	shalt  }
0x79: {  	_ =	shalt  }
0x7a: {  	_ =	shalt  }
0x7b: {  	_ =	shalt  }
0x7c: {  	_ =	shalt  }
0x7d: {  	_ =	shalt  }
0x7e: {  	_ =	shalt  }
0x7f: {  	_ =	shalt  }
0x80: {  	_ =	shalt  }
0x81: {  	_ =	shalt  }
0x82: {  	_ =	shalt  }
0x83: {  	_ =	shalt  }
0x84: {  	_ =	shalt  }
0x85: {  	_ =	shalt  }
0x86: {  	_ =	shalt  }
0x87: {  	_ =	shalt  }
.Lfunc_end0:
.L_simem_size_0:
called_computation_lowered:
.L_overlay_start_0:
0x88: {  	s2 =	sld [smem:$0x3FD9]  }
0x89: {  	s3 =	sld [smem:$0x3FFE];
	_ =	sdelay $0x1  }
0x8a: {  	s1 =	srdreg.scid  }
0x8b: {  	s0 =	sand.u32 $0x1, s1  }
0x8c: {  	s17 =	sshll.u32 s0, $0xA;
	s2 =	sadd.s32 s3, s2  }
0x8d: {  	s2 =	sadd.s32 s2, s17  }
0x8e: {  	[smem:$0x3FC0] =	sst s2  }
0x8f: {  	_ = 	snop  }
0x90: {  	s2 =	sld [smem:$0x3FC9]  }
0x91: {  	s18 =	sld [smem:$0x3FD0];
	(tm) =	ssettm $0x1  }
0x92: {  	s4 =	sld [smem:$0x3FFB];
	_ =	sdelay $0x3  }
0x93: {  	_ =	strace s4  }
0x94: {  	s4 =	sld [smem:$0x3FFC];
	_ =	sdelay $0x3  }
0x95: {  	_ =	strace s4  }
0x96: {  	s4 =	sld [smem:$0x3FFD];
	_ =	sdelay $0x3  }
0x97: {  	_ =	strace s4  }
0x98: {  	_ =	strace $0x8FFFFFFF  }
0x99: {  	s19 =	sld [smem:$0x3FDB];
	_ =	sdelay $0x1  }
0x9a: {  	s5 =	simm.s32 $_scs_section_size  }
0x9b: {  	s6 =	simm.s32 $_size__tile_overlayer_lowered;
	s7 =	simm.s32 $_tile_overlayer_lowered  }
0x9c: {  	s22 =	simm.s32 $0x1BFF;
	s21 =	sshll.u32 s7, $0x1;
	s4 =	sadd.s32 s5, s19  }
0x9d: {  	s8 =	simm.s32 $0x0;
	s20 =	sshll.u32 s6, $0x1;
	s6 =	sadd.s32 s21, s4  }
0x9e: {  	[timem:s8], [sflag:s22] =	dma.local [hbm:s6], s20  }
0x9f: {  	_ =	swait.ge [sflag:s22], s20  }
0xa0: {  	s5 =	ssub.s32 $0x0, s20;
	[sflag:s22] =	ssyncset.done $0x0  }
0xa1: {  	[sflag:s22] =	ssyncadd.s32 s5;
	_ =	sdelay $0x1  }
0xa2: {  	s23 =	simm.s32 $0x1B8B  }
0xa3: {  	_ =	swait.ge [sflag:s23], $0x1  }
0xa4: {  	[sflag:s23] =	ssyncset.done $0x0  }
0xa5: {  	s25 =	simm.s32 $0x1B8E;
	s24 =	sld [smem:$0x3FFE];
	[sflag:s23] =	ssyncadd.s32 $0xFFFFFFFF  }
0xa6: {  	s26 =	simm.s32 $execute0_lowered;
	[smem:$0x3FD2] =	sst s25  }
0xa7: {  	s6 =	sshll.u32 s26, $0x1;
	_ =	strace $0x80000046;
	[dreg:$0x1] =	wrdreg $0xFFFFFFFF  }
0xa8: {  	s28 =	simm.s32 $_size_execute0_lowered;
	s4 =	sadd.s32 s4, s6;
	[dreg:$0x0] =	wrdreg $0x0  }
0xa9: {  	s6 =	sshll.u32 s28, $0x1;
	[dreg:$0x2] =	wrdreg s4  }
0xaa: {  	[dreg:$0x3] =	wrdreg s6  }
0xab: {  	[dreg:$0x4] =	wrdreg $0xC0  }
0xac: {  	_ =	task [dreg:s8], $0x5FFFF  }
0xad: {  	[dreg:$0x1] =	wrdreg $0xFFFFFFFF  }
0xae: {  	[dreg:$0x0] =	wrdreg $0x60  }
0xaf: {  	[dreg:$0x2] =	wrdreg s18  }
0xb0: {  	[dreg:$0x3] =	wrdreg s2  }
0xb1: {  	[dreg:$0x4] =	wrdreg s24  }
0xb2: {  	[dreg:$0x5] =	wrdreg $0x9  }
0xb3: {  	_ =	task.clear_ibuf [dreg:s8], $0x6FFFF;
	_ =	strace $0x90000046  }
0xb4: {  	s29 =	simm.s32 $0x9;
	_ =	strace $0x80000048  }
0xb5: {  	_ =	swait.ge [sflag:s29], $0x1  }
0xb6: {  	[sflag:s29] =	ssyncadd.s32 $0xFFFFFFFF  }
0xb7: {  	_ =	strace $0x90000048  }
0xb8: {  	_ =	sfence  }
0xb9: {  	s30 =	sld [smem:$0x0];
	_ =	sdelay $0x2  }
0xba: {  	s31 =	sshll.u32 s1, $0xD;
	s1 =	sshrl.u32 s1, $0x2  }
0xbb: {  	s3 =	sand.u32 $0x4000, s31;
	s1 =	sadd.s32 s1, s30  }
0xbc: {  	s0 =	sor.u32 s3, s0;
	s1 =	sshll.u32 s1, $0x11  }
0xbd: {  	s0 =	sor.u32 s1, s0  }
0xbe: {  	s0 =	sadd.s32 $0x8F2B, s0  }
0xbf: {  	[sflag:s0] =	ssyncadd.remote.s32 $0x1  }
0xc0: {  	_ =	sfence.sel $0xFFFF  }
0xc1: {  	[dreg:$0x0] =	wrdreg $0xFFFFFFFF;
	(pc) =	sbr.abs _section_cstart, $3  }
0xc2: {  	[dreg:$0x1] =	wrdreg $0xFFFFFFFF  }
0xc3: {  	_ =	task.clear_ibuf [dreg:s8], $0x2FFFF;
	_ =	strace $0x9FFFFFFF  }
0xc4: {  	(tm) =	ssettm $0x7FFFFFFF  }
0xc5: {  	_ =	shalt  }
tec
execute0_lowered:
.L_overlay_start_1:
0x0: {  	(tag) =	ssettag $0x1  }
0x1: {  	s0 =	rddreg [dreg:$0x0]  }
0x2: {  	s1 =	rddreg [dreg:$0x1]  }
0x3: {  	s5 =	rddreg [dreg:$0x2]  }
0x4: {  	s2 =	srdreg.scid;
	s3 =	stileid.u32  }
0x5: {  	s10 =	simm.s32 $0x880;
	s11 =	simm.s32 $0x1080;
	s12 =	simm.s32 $0x1880  }
0x6: {  	s13 =	simm.s32 $0x2080;
	s14 =	simm.s32 $0x2880;
	s15 =	simm.s32 $0x3080  }
0x7: {  	s16 =	simm.s32 $0x3880;
	s17 =	simm.s32 $0x4080;
	s18 =	simm.s32 $0x4880  }
0x8: {  	s19 =	simm.s32 $0x5080;
	s20 =	simm.s32 $0x5880;
	s21 =	simm.s32 $0x6080  }
0x9: {  	s22 =	simm.s32 $0x6880;
	s23 =	simm.s32 $0x7080;
	s28 =	simm.s32 $0x9080  }
0xa: {  	s29 =	simm.s32 $0x9880;
	s30 =	simm.s32 $0xA080;
	s31 =	simm.s32 $0xA880  }
0xb: {  	s4 =	sand.u32 $0x1, s2;
	s2 =	simm.s32 $0x0;
	s3 =	sshll.u32 s3, $0x6  }
0xc: {  	s6 =	sshll.u32 s4, $0x5;
	[smem:$0x7FF] =	sst s2;
	s4 =	ssub.s32 $0x2, s4  }
0xd: {  	s6 =	sor.u32 s6, s3;
	_ =	strace $0x80000047;
	s3 =	sadd.s32 $0x1A00, s5  }
0xe: {  	s9 =	sshrl.u32 s4, $0x1;
	s7 =	smul.u32 $0x300, s6;
	s8 =	sadd.s32 s0, s6  }
0xf: {  	s6 =	sor.u32 $0x10, s6;
	s25 =	ssub.s32 s4, s9;
	s4 =	sadd.s32 $0x1B00, s5  }
0x10: {  	s5 =	sadd.s32 $0x1C00, s5;
	[dreg:$0x4] =	wrdreg s8;
	s0 =	sadd.s32 s0, s6  }
0x11: {  	s24 =	smul.u32 $0x300, s6;
	s7 =	sadd.s32 s1, s7;
	[dreg:$0x6] =	wrdreg s0  }
0x12: {  	v2 =	vlaneseq.u32;
	s6 =	smax.u32 s25, $0x1;
	s25 =	simm.s32 $0x8080;
	[dreg:$0x5] =	wrdreg s7  }
0x13: {  	vm0 =	vmmov $0xffff;
	v1 =	vshrl.u32 v2, $0x3;
	s26 =	sadd.s32 s1, s24;
	s7 =	simm.s32 $0x2;
	s1 =	simm.s32 $0x1  }
0x14: {  	v0 =	vand.u32 $0x7, v2;
	v2 =	vor.u32 $0x8, v2;
	v1 =	vmul.u32 $0x8, v1;
	s24 =	simm.s32 $0x7880;
	[dreg:$0x7] =	wrdreg s26;
	s26 =	simm.s32 $0x8880  }
.LBB2_1:
0x15: {  	s9 =	rddreg [dreg:$0x4]  }
0x16: {  	[tilespmem:s2], [sflag:$0x2] =	stream.linear.gather [hbm4b:s9+s2], $0x80, $0x38;
	[tilespmem:$0x18080] =	vst v63  }
0x17: {  	_ =	swait.ge [sflag:s7], $0x80  }
0x18: {  	[sflag:s7] =	ssyncset.done $0x0  }
0x19: {  	s0 =	simm.s32 $0x80;
	s8 =	rddreg [dreg:$0x5];
	[sflag:s7] =	ssyncadd.s32 $0xFFFFFF80  }
0x1a: {  	[tilespmem:s0], [sflag:$0x2] =	stream.linear.gather [hbm4b:s8+s2], $0x18000, $0x38;
	[tilespmem:$0x18080] =	vst v63  }
0x1b: {  	_ =	swait.ge [sflag:s7], $0x18000  }
0x1c: {  	[sflag:s7] =	ssyncset.done $0x0  }
0x1d: {  	[sflag:s7] =	ssyncadd.s32 $0xFFFE8000  }
0x1e: {  	v3 =	vld [tilespmem:$0x0];
	_ =	sdelay $0x4  }
0x1f: {  	v4 =	vshrl.u32 v3, $0x3  }
0x20: {  	v4 =	vmul.u32 $0x30, v4  }
0x21: {  	v3 =	vand.u32 $0x7, v3  }
0x22: {  	v3 =	vor.u32 v3, v4  }
0x23: {  	v4 =	vperm.xlane v3, v0;
	_ =	sdelay $0x1  }
0x24: {  	v4 =	vadd.s32 v1, v4;
	_ =	sdelay $0x3  }
0x25: {  	v3 =	vperm.xlane v3, v2  }
0x26: {  	[hbm4b:s3+s2] =	stream.indirect_vreg.scatter [tilespmem:s0], [sflag:$0x1], $0x80, v4, vm0, $0xb8;
	[tilespmem:$0x18080] =	vst v63  }
0x27: {  	v3 =	vadd.s32 v1, v3  }
0x28: {  	[hbm4b:s4+s2] =	stream.indirect_vreg.scatter [tilespmem:s10], [sflag:$0x1], $0x80, v4, vm0, $0xb8;
	[tilespmem:$0x18080] =	vst v63  }
0x29: {  	_ = 	snop  }
0x2a: {  	[hbm4b:s5+s2] =	stream.indirect_vreg.scatter [tilespmem:s11], [sflag:$0x1], $0x80, v4, vm0, $0xb8;
	[tilespmem:$0x18080] =	vst v63  }
0x2b: {  	_ = 	snop  }
0x2c: {  	[hbm4b:s3+s2] =	stream.indirect_vreg.scatter [tilespmem:s12], [sflag:$0x1], $0x80, v3, vm0, $0xb8;
	[tilespmem:$0x18080] =	vst v63  }
0x2d: {  	_ = 	snop  }
0x2e: {  	[hbm4b:s4+s2] =	stream.indirect_vreg.scatter [tilespmem:s13], [sflag:$0x1], $0x80, v3, vm0, $0xb8;
	[tilespmem:$0x18080] =	vst v63  }
0x2f: {  	_ = 	snop  }
0x30: {  	[hbm4b:s5+s2] =	stream.indirect_vreg.scatter [tilespmem:s14], [sflag:$0x1], $0x80, v3, vm0, $0xb8;
	[tilespmem:$0x18080] =	vst v63  }
0x31: {  	v3 =	vld [tilespmem:$0x10];
	_ =	sdelay $0x4  }
0x32: {  	v49 =	vshrl.u32 v3, $0x3  }
0x33: {  	v4 =	vmul.u32 $0x30, v49  }
0x34: {  	v3 =	vand.u32 $0x7, v3  }
0x35: {  	v3 =	vor.u32 v3, v4  }
0x36: {  	v4 =	vperm.xlane v3, v0;
	_ =	sdelay $0x1  }
0x37: {  	v4 =	vadd.s32 v1, v4;
	_ =	sdelay $0x3  }
0x38: {  	v3 =	vperm.xlane v3, v2  }
0x39: {  	[hbm4b:s3+s2] =	stream.indirect_vreg.scatter [tilespmem:s15], [sflag:$0x1], $0x80, v4, vm0, $0xb8;
	[tilespmem:$0x18080] =	vst v63  }
0x3a: {  	v3 =	vadd.s32 v1, v3  }
0x3b: {  	[hbm4b:s4+s2] =	stream.indirect_vreg.scatter [tilespmem:s16], [sflag:$0x1], $0x80, v4, vm0, $0xb8;
	[tilespmem:$0x18080] =	vst v63  }
0x3c: {  	_ = 	snop  }
0x3d: {  	[hbm4b:s5+s2] =	stream.indirect_vreg.scatter [tilespmem:s17], [sflag:$0x1], $0x80, v4, vm0, $0xb8;
	[tilespmem:$0x18080] =	vst v63  }
0x3e: {  	_ = 	snop  }
0x3f: {  	[hbm4b:s3+s2] =	stream.indirect_vreg.scatter [tilespmem:s18], [sflag:$0x1], $0x80, v3, vm0, $0xb8;
	[tilespmem:$0x18080] =	vst v63  }
0x40: {  	_ = 	snop  }
0x41: {  	[hbm4b:s4+s2] =	stream.indirect_vreg.scatter [tilespmem:s19], [sflag:$0x1], $0x80, v3, vm0, $0xb8;
	[tilespmem:$0x18080] =	vst v63  }
0x42: {  	_ = 	snop  }
0x43: {  	[hbm4b:s5+s2] =	stream.indirect_vreg.scatter [tilespmem:s20], [sflag:$0x1], $0x80, v3, vm0, $0xb8;
	[tilespmem:$0x18080] =	vst v63  }
0x44: {  	v3 =	vld [tilespmem:$0x20];
	_ =	sdelay $0x4  }
0x45: {  	v50 =	vshrl.u32 v3, $0x3  }
0x46: {  	v4 =	vmul.u32 $0x30, v50  }
0x47: {  	v3 =	vand.u32 $0x7, v3  }
0x48: {  	v3 =	vor.u32 v3, v4  }
0x49: {  	v4 =	vperm.xlane v3, v0;
	_ =	sdelay $0x1  }
0x4a: {  	v4 =	vadd.s32 v1, v4;
	_ =	sdelay $0x3  }
0x4b: {  	v3 =	vperm.xlane v3, v2  }
0x4c: {  	[hbm4b:s3+s2] =	stream.indirect_vreg.scatter [tilespmem:s21], [sflag:$0x1], $0x80, v4, vm0, $0xb8;
	[tilespmem:$0x18080] =	vst v63  }
0x4d: {  	v3 =	vadd.s32 v1, v3  }
0x4e: {  	[hbm4b:s4+s2] =	stream.indirect_vreg.scatter [tilespmem:s22], [sflag:$0x1], $0x80, v4, vm0, $0xb8;
	[tilespmem:$0x18080] =	vst v63  }
0x4f: {  	_ = 	snop  }
0x50: {  	[hbm4b:s5+s2] =	stream.indirect_vreg.scatter [tilespmem:s23], [sflag:$0x1], $0x80, v4, vm0, $0xb8;
	[tilespmem:$0x18080] =	vst v63  }
0x51: {  	_ = 	snop  }
0x52: {  	[hbm4b:s3+s2] =	stream.indirect_vreg.scatter [tilespmem:s24], [sflag:$0x1], $0x80, v3, vm0, $0xb8;
	[tilespmem:$0x18080] =	vst v63  }
0x53: {  	_ = 	snop  }
0x54: {  	[hbm4b:s4+s2] =	stream.indirect_vreg.scatter [tilespmem:s25], [sflag:$0x1], $0x80, v3, vm0, $0xb8;
	[tilespmem:$0x18080] =	vst v63  }
0x55: {  	_ = 	snop  }
0x56: {  	[hbm4b:s5+s2] =	stream.indirect_vreg.scatter [tilespmem:s26], [sflag:$0x1], $0x80, v3, vm0, $0xb8;
	[tilespmem:$0x18080] =	vst v63  }
0x57: {  	v3 =	vld [tilespmem:$0x30];
	_ =	sdelay $0x4  }
0x58: {  	v51 =	vshrl.u32 v3, $0x3  }
0x59: {  	v4 =	vmul.u32 $0x30, v51  }
0x5a: {  	v3 =	vand.u32 $0x7, v3  }
0x5b: {  	v3 =	vor.u32 v3, v4  }
0x5c: {  	v4 =	vperm.xlane v3, v0;
	_ =	sdelay $0x1  }
0x5d: {  	v4 =	vadd.s32 v1, v4;
	_ =	sdelay $0x3  }
0x5e: {  	v3 =	vperm.xlane v3, v2  }
0x5f: {  	[hbm4b:s3+s2] =	stream.indirect_vreg.scatter [tilespmem:s28], [sflag:$0x1], $0x80, v4, vm0, $0xb8;
	[tilespmem:$0x18080] =	vst v63  }
0x60: {  	v3 =	vadd.s32 v1, v3  }
0x61: {  	[hbm4b:s4+s2] =	stream.indirect_vreg.scatter [tilespmem:s29], [sflag:$0x1], $0x80, v4, vm0, $0xb8;
	[tilespmem:$0x18080] =	vst v63  }
0x62: {  	_ = 	snop  }
0x63: {  	[hbm4b:s5+s2] =	stream.indirect_vreg.scatter [tilespmem:s30], [sflag:$0x1], $0x80, v4, vm0, $0xb8;
	[tilespmem:$0x18080] =	vst v63  }
0x64: {  	_ = 	snop  }
0x65: {  	[hbm4b:s3+s2] =	stream.indirect_vreg.scatter [tilespmem:s31], [sflag:$0x1], $0x80, v3, vm0, $0xb8;
	[tilespmem:$0x18080] =	vst v63  }
0x66: {  	s8 =	simm.s32 $0xB080  }
0x67: {  	[hbm4b:s4+s2] =	stream.indirect_vreg.scatter [tilespmem:s8], [sflag:$0x1], $0x80, v3, vm0, $0xb8;
	[tilespmem:$0x18080] =	vst v63  }
0x68: {  	s8 =	simm.s32 $0xB880  }
0x69: {  	[hbm4b:s5+s2] =	stream.indirect_vreg.scatter [tilespmem:s8], [sflag:$0x1], $0x80, v3, vm0, $0xb8;
	[tilespmem:$0x18080] =	vst v63  }
0x6a: {  	v3 =	vld [tilespmem:$0x40];
	_ =	sdelay $0x4  }
0x6b: {  	v52 =	vshrl.u32 v3, $0x3  }
0x6c: {  	v4 =	vmul.u32 $0x30, v52  }
0x6d: {  	v3 =	vand.u32 $0x7, v3  }
0x6e: {  	v3 =	vor.u32 v3, v4  }
0x6f: {  	v4 =	vperm.xlane v3, v0;
	_ =	sdelay $0x1  }
0x70: {  	v4 =	vadd.s32 v1, v4;
	_ =	sdelay $0x3  }
0x71: {  	s9 =	simm.s32 $0xC080;
	v3 =	vperm.xlane v3, v2  }
0x72: {  	[hbm4b:s3+s2] =	stream.indirect_vreg.scatter [tilespmem:s9], [sflag:$0x1], $0x80, v4, vm0, $0xb8;
	[tilespmem:$0x18080] =	vst v63  }
0x73: {  	v3 =	vadd.s32 v1, v3;
	s9 =	simm.s32 $0xC880  }
0x74: {  	[hbm4b:s4+s2] =	stream.indirect_vreg.scatter [tilespmem:s9], [sflag:$0x1], $0x80, v4, vm0, $0xb8;
	[tilespmem:$0x18080] =	vst v63  }
0x75: {  	s9 =	simm.s32 $0xD080  }
0x76: {  	[hbm4b:s5+s2] =	stream.indirect_vreg.scatter [tilespmem:s9], [sflag:$0x1], $0x80, v4, vm0, $0xb8;
	[tilespmem:$0x18080] =	vst v63  }
0x77: {  	s9 =	simm.s32 $0xD880  }
0x78: {  	[hbm4b:s3+s2] =	stream.indirect_vreg.scatter [tilespmem:s9], [sflag:$0x1], $0x80, v3, vm0, $0xb8;
	[tilespmem:$0x18080] =	vst v63  }
0x79: {  	s9 =	simm.s32 $0xE080  }
0x7a: {  	[hbm4b:s4+s2] =	stream.indirect_vreg.scatter [tilespmem:s9], [sflag:$0x1], $0x80, v3, vm0, $0xb8;
	[tilespmem:$0x18080] =	vst v63  }
0x7b: {  	s9 =	simm.s32 $0xE880  }
0x7c: {  	[hbm4b:s5+s2] =	stream.indirect_vreg.scatter [tilespmem:s9], [sflag:$0x1], $0x80, v3, vm0, $0xb8;
	[tilespmem:$0x18080] =	vst v63  }
0x7d: {  	v3 =	vld [tilespmem:$0x50];
	_ =	sdelay $0x4  }
0x7e: {  	v53 =	vshrl.u32 v3, $0x3  }
0x7f: {  	v4 =	vmul.u32 $0x30, v53  }
0x80: {  	v3 =	vand.u32 $0x7, v3  }
0x81: {  	v3 =	vor.u32 v3, v4  }
0x82: {  	v4 =	vperm.xlane v3, v0;
	_ =	sdelay $0x1  }
0x83: {  	v4 =	vadd.s32 v1, v4;
	_ =	sdelay $0x3  }
0x84: {  	s9 =	simm.s32 $0xF080;
	v3 =	vperm.xlane v3, v2  }
0x85: {  	[hbm4b:s3+s2] =	stream.indirect_vreg.scatter [tilespmem:s9], [sflag:$0x1], $0x80, v4, vm0, $0xb8;
	[tilespmem:$0x18080] =	vst v63  }
0x86: {  	v3 =	vadd.s32 v1, v3;
	s9 =	simm.s32 $0xF880  }
0x87: {  	[hbm4b:s4+s2] =	stream.indirect_vreg.scatter [tilespmem:s9], [sflag:$0x1], $0x80, v4, vm0, $0xb8;
	[tilespmem:$0x18080] =	vst v63  }
0x88: {  	s9 =	simm.s32 $0x10080  }
0x89: {  	[hbm4b:s5+s2] =	stream.indirect_vreg.scatter [tilespmem:s9], [sflag:$0x1], $0x80, v4, vm0, $0xb8;
	[tilespmem:$0x18080] =	vst v63  }
0x8a: {  	s9 =	simm.s32 $0x10880  }
0x8b: {  	[hbm4b:s3+s2] =	stream.indirect_vreg.scatter [tilespmem:s9], [sflag:$0x1], $0x80, v3, vm0, $0xb8;
	[tilespmem:$0x18080] =	vst v63  }
0x8c: {  	s9 =	simm.s32 $0x11080  }
0x8d: {  	[hbm4b:s4+s2] =	stream.indirect_vreg.scatter [tilespmem:s9], [sflag:$0x1], $0x80, v3, vm0, $0xb8;
	[tilespmem:$0x18080] =	vst v63  }
0x8e: {  	s9 =	simm.s32 $0x11880  }
0x8f: {  	[hbm4b:s5+s2] =	stream.indirect_vreg.scatter [tilespmem:s9], [sflag:$0x1], $0x80, v3, vm0, $0xb8;
	[tilespmem:$0x18080] =	vst v63  }
0x90: {  	v3 =	vld [tilespmem:$0x60];
	_ =	sdelay $0x4  }
0x91: {  	v54 =	vshrl.u32 v3, $0x3  }
0x92: {  	v4 =	vmul.u32 $0x30, v54  }
0x93: {  	v3 =	vand.u32 $0x7, v3  }
0x94: {  	v3 =	vor.u32 v3, v4  }
0x95: {  	v4 =	vperm.xlane v3, v0;
	_ =	sdelay $0x1  }
0x96: {  	v4 =	vadd.s32 v1, v4;
	_ =	sdelay $0x3  }
0x97: {  	s9 =	simm.s32 $0x12080;
	v3 =	vperm.xlane v3, v2  }
0x98: {  	[hbm4b:s3+s2] =	stream.indirect_vreg.scatter [tilespmem:s9], [sflag:$0x1], $0x80, v4, vm0, $0xb8;
	[tilespmem:$0x18080] =	vst v63  }
0x99: {  	v3 =	vadd.s32 v1, v3;
	s9 =	simm.s32 $0x12880  }
0x9a: {  	[hbm4b:s4+s2] =	stream.indirect_vreg.scatter [tilespmem:s9], [sflag:$0x1], $0x80, v4, vm0, $0xb8;
	[tilespmem:$0x18080] =	vst v63  }
0x9b: {  	s9 =	simm.s32 $0x13080  }
0x9c: {  	[hbm4b:s5+s2] =	stream.indirect_vreg.scatter [tilespmem:s9], [sflag:$0x1], $0x80, v4, vm0, $0xb8;
	[tilespmem:$0x18080] =	vst v63  }
0x9d: {  	s9 =	simm.s32 $0x13880  }
0x9e: {  	[hbm4b:s3+s2] =	stream.indirect_vreg.scatter [tilespmem:s9], [sflag:$0x1], $0x80, v3, vm0, $0xb8;
	[tilespmem:$0x18080] =	vst v63  }
0x9f: {  	s9 =	simm.s32 $0x14080  }
0xa0: {  	[hbm4b:s4+s2] =	stream.indirect_vreg.scatter [tilespmem:s9], [sflag:$0x1], $0x80, v3, vm0, $0xb8;
	[tilespmem:$0x18080] =	vst v63  }
0xa1: {  	s9 =	simm.s32 $0x14880  }
0xa2: {  	[hbm4b:s5+s2] =	stream.indirect_vreg.scatter [tilespmem:s9], [sflag:$0x1], $0x80, v3, vm0, $0xb8;
	[tilespmem:$0x18080] =	vst v63  }
0xa3: {  	v3 =	vld [tilespmem:$0x70];
	_ =	sdelay $0x4  }
0xa4: {  	v55 =	vshrl.u32 v3, $0x3  }
0xa5: {  	v4 =	vmul.u32 $0x30, v55  }
0xa6: {  	v3 =	vand.u32 $0x7, v3  }
0xa7: {  	v3 =	vor.u32 v3, v4  }
0xa8: {  	v4 =	vperm.xlane v3, v0;
	_ =	sdelay $0x1  }
0xa9: {  	v4 =	vadd.s32 v1, v4;
	_ =	sdelay $0x3  }
0xaa: {  	s9 =	simm.s32 $0x15080;
	v3 =	vperm.xlane v3, v2  }
0xab: {  	[hbm4b:s3+s2] =	stream.indirect_vreg.scatter [tilespmem:s9], [sflag:$0x1], $0x80, v4, vm0, $0xb8;
	[tilespmem:$0x18080] =	vst v63  }
0xac: {  	v3 =	vadd.s32 v1, v3;
	s9 =	simm.s32 $0x15880  }
0xad: {  	[hbm4b:s4+s2] =	stream.indirect_vreg.scatter [tilespmem:s9], [sflag:$0x1], $0x80, v4, vm0, $0xb8;
	[tilespmem:$0x18080] =	vst v63  }
0xae: {  	s9 =	simm.s32 $0x16080  }
0xaf: {  	[hbm4b:s5+s2] =	stream.indirect_vreg.scatter [tilespmem:s9], [sflag:$0x1], $0x80, v4, vm0, $0xb8;
	[tilespmem:$0x18080] =	vst v63  }
0xb0: {  	s9 =	simm.s32 $0x16880  }
0xb1: {  	[hbm4b:s3+s2] =	stream.indirect_vreg.scatter [tilespmem:s9], [sflag:$0x1], $0x80, v3, vm0, $0xb8;
	[tilespmem:$0x18080] =	vst v63  }
0xb2: {  	s9 =	simm.s32 $0x17080  }
0xb3: {  	[hbm4b:s4+s2] =	stream.indirect_vreg.scatter [tilespmem:s9], [sflag:$0x1], $0x80, v3, vm0, $0xb8;
	[tilespmem:$0x18080] =	vst v63  }
0xb4: {  	s9 =	simm.s32 $0x17880  }
0xb5: {  	[hbm4b:s5+s2] =	stream.indirect_vreg.scatter [tilespmem:s9], [sflag:$0x1], $0x80, v3, vm0, $0xb8;
	[tilespmem:$0x18080] =	vst v63  }
0xb6: {  	_ =	swait.ge [sflag:s1], $0x18000  }
0xb7: {  	[sflag:s1] =	ssyncset.done $0x0  }
0xb8: {  	s9 =	rddreg [dreg:$0x6];
	[sflag:s1] =	ssyncadd.s32 $0xFFFE8000  }
0xb9: {  	[tilespmem:s2], [sflag:$0x2] =	stream.linear.gather [hbm4b:s9+s2], $0x80, $0x38;
	[tilespmem:$0x18080] =	vst v63  }
0xba: {  	_ =	swait.ge [sflag:s7], $0x80  }
0xbb: {  	[sflag:s7] =	ssyncset.done $0x0  }
0xbc: {  	s9 =	rddreg [dreg:$0x7];
	[sflag:s7] =	ssyncadd.s32 $0xFFFFFF80  }
0xbd: {  	[tilespmem:s0], [sflag:$0x2] =	stream.linear.gather [hbm4b:s9+s2], $0x18000, $0x38;
	[tilespmem:$0x18080] =	vst v63  }
0xbe: {  	_ =	swait.ge [sflag:s7], $0x18000  }
0xbf: {  	[sflag:s7] =	ssyncset.done $0x0  }
0xc0: {  	[sflag:s7] =	ssyncadd.s32 $0xFFFE8000  }
0xc1: {  	v3 =	vld [tilespmem:$0x0];
	_ =	sdelay $0x4  }
0xc2: {  	v56 =	vshrl.u32 v3, $0x3  }
0xc3: {  	v4 =	vmul.u32 $0x30, v56  }
0xc4: {  	v3 =	vand.u32 $0x7, v3  }
0xc5: {  	v3 =	vor.u32 v3, v4  }
0xc6: {  	v4 =	vperm.xlane v3, v0;
	_ =	sdelay $0x1  }
0xc7: {  	v4 =	vadd.s32 v1, v4;
	_ =	sdelay $0x3  }
0xc8: {  	v3 =	vperm.xlane v3, v2  }
0xc9: {  	[hbm4b:s3+s2] =	stream.indirect_vreg.scatter [tilespmem:s0], [sflag:$0x1], $0x80, v4, vm0, $0xb8;
	[tilespmem:$0x18080] =	vst v63  }
0xca: {  	v3 =	vadd.s32 v1, v3  }
0xcb: {  	[hbm4b:s4+s2] =	stream.indirect_vreg.scatter [tilespmem:s10], [sflag:$0x1], $0x80, v4, vm0, $0xb8;
	[tilespmem:$0x18080] =	vst v63  }
0xcc: {  	_ = 	snop  }
0xcd: {  	[hbm4b:s5+s2] =	stream.indirect_vreg.scatter [tilespmem:s11], [sflag:$0x1], $0x80, v4, vm0, $0xb8;
	[tilespmem:$0x18080] =	vst v63  }
0xce: {  	_ = 	snop  }
0xcf: {  	[hbm4b:s3+s2] =	stream.indirect_vreg.scatter [tilespmem:s12], [sflag:$0x1], $0x80, v3, vm0, $0xb8;
	[tilespmem:$0x18080] =	vst v63  }
0xd0: {  	_ = 	snop  }
0xd1: {  	[hbm4b:s4+s2] =	stream.indirect_vreg.scatter [tilespmem:s13], [sflag:$0x1], $0x80, v3, vm0, $0xb8;
	[tilespmem:$0x18080] =	vst v63  }
0xd2: {  	_ = 	snop  }
0xd3: {  	[hbm4b:s5+s2] =	stream.indirect_vreg.scatter [tilespmem:s14], [sflag:$0x1], $0x80, v3, vm0, $0xb8;
	[tilespmem:$0x18080] =	vst v63  }
0xd4: {  	v3 =	vld [tilespmem:$0x10];
	_ =	sdelay $0x4  }
0xd5: {  	v57 =	vshrl.u32 v3, $0x3  }
0xd6: {  	v4 =	vmul.u32 $0x30, v57  }
0xd7: {  	v3 =	vand.u32 $0x7, v3  }
0xd8: {  	v3 =	vor.u32 v3, v4  }
0xd9: {  	v4 =	vperm.xlane v3, v0;
	_ =	sdelay $0x1  }
0xda: {  	v4 =	vadd.s32 v1, v4;
	_ =	sdelay $0x3  }
0xdb: {  	v3 =	vperm.xlane v3, v2  }
0xdc: {  	[hbm4b:s3+s2] =	stream.indirect_vreg.scatter [tilespmem:s15], [sflag:$0x1], $0x80, v4, vm0, $0xb8;
	[tilespmem:$0x18080] =	vst v63  }
0xdd: {  	v3 =	vadd.s32 v1, v3  }
0xde: {  	[hbm4b:s4+s2] =	stream.indirect_vreg.scatter [tilespmem:s16], [sflag:$0x1], $0x80, v4, vm0, $0xb8;
	[tilespmem:$0x18080] =	vst v63  }
0xdf: {  	_ = 	snop  }
0xe0: {  	[hbm4b:s5+s2] =	stream.indirect_vreg.scatter [tilespmem:s17], [sflag:$0x1], $0x80, v4, vm0, $0xb8;
	[tilespmem:$0x18080] =	vst v63  }
0xe1: {  	_ = 	snop  }
0xe2: {  	[hbm4b:s3+s2] =	stream.indirect_vreg.scatter [tilespmem:s18], [sflag:$0x1], $0x80, v3, vm0, $0xb8;
	[tilespmem:$0x18080] =	vst v63  }
0xe3: {  	_ = 	snop  }
0xe4: {  	[hbm4b:s4+s2] =	stream.indirect_vreg.scatter [tilespmem:s19], [sflag:$0x1], $0x80, v3, vm0, $0xb8;
	[tilespmem:$0x18080] =	vst v63  }
0xe5: {  	_ = 	snop  }
0xe6: {  	[hbm4b:s5+s2] =	stream.indirect_vreg.scatter [tilespmem:s20], [sflag:$0x1], $0x80, v3, vm0, $0xb8;
	[tilespmem:$0x18080] =	vst v63  }
0xe7: {  	v3 =	vld [tilespmem:$0x20];
	_ =	sdelay $0x4  }
0xe8: {  	v58 =	vshrl.u32 v3, $0x3  }
0xe9: {  	v4 =	vmul.u32 $0x30, v58  }
0xea: {  	v3 =	vand.u32 $0x7, v3  }
0xeb: {  	v3 =	vor.u32 v3, v4  }
0xec: {  	v4 =	vperm.xlane v3, v0;
	_ =	sdelay $0x1  }
0xed: {  	v4 =	vadd.s32 v1, v4;
	_ =	sdelay $0x3  }
0xee: {  	v3 =	vperm.xlane v3, v2  }
0xef: {  	[hbm4b:s3+s2] =	stream.indirect_vreg.scatter [tilespmem:s21], [sflag:$0x1], $0x80, v4, vm0, $0xb8;
	[tilespmem:$0x18080] =	vst v63  }
0xf0: {  	v3 =	vadd.s32 v1, v3  }
0xf1: {  	[hbm4b:s4+s2] =	stream.indirect_vreg.scatter [tilespmem:s22], [sflag:$0x1], $0x80, v4, vm0, $0xb8;
	[tilespmem:$0x18080] =	vst v63  }
0xf2: {  	_ = 	snop  }
0xf3: {  	[hbm4b:s5+s2] =	stream.indirect_vreg.scatter [tilespmem:s23], [sflag:$0x1], $0x80, v4, vm0, $0xb8;
	[tilespmem:$0x18080] =	vst v63  }
0xf4: {  	_ = 	snop  }
0xf5: {  	[hbm4b:s3+s2] =	stream.indirect_vreg.scatter [tilespmem:s24], [sflag:$0x1], $0x80, v3, vm0, $0xb8;
	[tilespmem:$0x18080] =	vst v63  }
0xf6: {  	_ = 	snop  }
0xf7: {  	[hbm4b:s4+s2] =	stream.indirect_vreg.scatter [tilespmem:s25], [sflag:$0x1], $0x80, v3, vm0, $0xb8;
	[tilespmem:$0x18080] =	vst v63  }
0xf8: {  	_ = 	snop  }
0xf9: {  	[hbm4b:s5+s2] =	stream.indirect_vreg.scatter [tilespmem:s26], [sflag:$0x1], $0x80, v3, vm0, $0xb8;
	[tilespmem:$0x18080] =	vst v63  }
0xfa: {  	v3 =	vld [tilespmem:$0x30];
	_ =	sdelay $0x4  }
0xfb: {  	v59 =	vshrl.u32 v3, $0x3  }
0xfc: {  	v4 =	vmul.u32 $0x30, v59  }
0xfd: {  	v3 =	vand.u32 $0x7, v3  }
0xfe: {  	v3 =	vor.u32 v3, v4  }
0xff: {  	v4 =	vperm.xlane v3, v0;
	_ =	sdelay $0x1  }
0x100: {  	v4 =	vadd.s32 v1, v4;
	_ =	sdelay $0x3  }
0x101: {  	v3 =	vperm.xlane v3, v2  }
0x102: {  	[hbm4b:s3+s2] =	stream.indirect_vreg.scatter [tilespmem:s28], [sflag:$0x1], $0x80, v4, vm0, $0xb8;
	[tilespmem:$0x18080] =	vst v63  }
0x103: {  	v3 =	vadd.s32 v1, v3  }
0x104: {  	[hbm4b:s4+s2] =	stream.indirect_vreg.scatter [tilespmem:s29], [sflag:$0x1], $0x80, v4, vm0, $0xb8;
	[tilespmem:$0x18080] =	vst v63  }
0x105: {  	_ = 	snop  }
0x106: {  	[hbm4b:s5+s2] =	stream.indirect_vreg.scatter [tilespmem:s30], [sflag:$0x1], $0x80, v4, vm0, $0xb8;
	[tilespmem:$0x18080] =	vst v63  }
0x107: {  	_ = 	snop  }
0x108: {  	[hbm4b:s3+s2] =	stream.indirect_vreg.scatter [tilespmem:s31], [sflag:$0x1], $0x80, v3, vm0, $0xb8;
	[tilespmem:$0x18080] =	vst v63  }
0x109: {  	s9 =	simm.s32 $0xB080  }
0x10a: {  	[hbm4b:s4+s2] =	stream.indirect_vreg.scatter [tilespmem:s9], [sflag:$0x1], $0x80, v3, vm0, $0xb8;
	[tilespmem:$0x18080] =	vst v63  }
0x10b: {  	_ = 	snop  }
0x10c: {  	[hbm4b:s5+s2] =	stream.indirect_vreg.scatter [tilespmem:s8], [sflag:$0x1], $0x80, v3, vm0, $0xb8;
	[tilespmem:$0x18080] =	vst v63  }
0x10d: {  	v3 =	vld [tilespmem:$0x40];
	_ =	sdelay $0x4  }
0x10e: {  	v60 =	vshrl.u32 v3, $0x3  }
0x10f: {  	v4 =	vmul.u32 $0x30, v60  }
0x110: {  	v3 =	vand.u32 $0x7, v3  }
0x111: {  	v3 =	vor.u32 v3, v4  }
0x112: {  	v4 =	vperm.xlane v3, v0;
	_ =	sdelay $0x1  }
0x113: {  	v4 =	vadd.s32 v1, v4;
	_ =	sdelay $0x3  }
0x114: {  	s8 =	simm.s32 $0xC080;
	v3 =	vperm.xlane v3, v2  }
0x115: {  	[hbm4b:s3+s2] =	stream.indirect_vreg.scatter [tilespmem:s8], [sflag:$0x1], $0x80, v4, vm0, $0xb8;
	[tilespmem:$0x18080] =	vst v63  }
0x116: {  	s9 =	simm.s32 $0xC880;
	v3 =	vadd.s32 v1, v3  }
0x117: {  	[hbm4b:s4+s2] =	stream.indirect_vreg.scatter [tilespmem:s9], [sflag:$0x1], $0x80, v4, vm0, $0xb8;
	[tilespmem:$0x18080] =	vst v63  }
0x118: {  	s8 =	simm.s32 $0xD080  }
0x119: {  	[hbm4b:s5+s2] =	stream.indirect_vreg.scatter [tilespmem:s8], [sflag:$0x1], $0x80, v4, vm0, $0xb8;
	[tilespmem:$0x18080] =	vst v63  }
0x11a: {  	s9 =	simm.s32 $0xD880  }
0x11b: {  	[hbm4b:s3+s2] =	stream.indirect_vreg.scatter [tilespmem:s9], [sflag:$0x1], $0x80, v3, vm0, $0xb8;
	[tilespmem:$0x18080] =	vst v63  }
0x11c: {  	s8 =	simm.s32 $0xE080  }
0x11d: {  	[hbm4b:s4+s2] =	stream.indirect_vreg.scatter [tilespmem:s8], [sflag:$0x1], $0x80, v3, vm0, $0xb8;
	[tilespmem:$0x18080] =	vst v63  }
0x11e: {  	s9 =	simm.s32 $0xE880  }
0x11f: {  	[hbm4b:s5+s2] =	stream.indirect_vreg.scatter [tilespmem:s9], [sflag:$0x1], $0x80, v3, vm0, $0xb8;
	[tilespmem:$0x18080] =	vst v63  }
0x120: {  	v3 =	vld [tilespmem:$0x50];
	_ =	sdelay $0x4  }
0x121: {  	v61 =	vshrl.u32 v3, $0x3  }
0x122: {  	v4 =	vmul.u32 $0x30, v61  }
0x123: {  	v3 =	vand.u32 $0x7, v3  }
0x124: {  	v3 =	vor.u32 v3, v4  }
0x125: {  	v4 =	vperm.xlane v3, v0;
	_ =	sdelay $0x1  }
0x126: {  	v4 =	vadd.s32 v1, v4;
	_ =	sdelay $0x3  }
0x127: {  	s8 =	simm.s32 $0xF080;
	v3 =	vperm.xlane v3, v2  }
0x128: {  	[hbm4b:s3+s2] =	stream.indirect_vreg.scatter [tilespmem:s8], [sflag:$0x1], $0x80, v4, vm0, $0xb8;
	[tilespmem:$0x18080] =	vst v63  }
0x129: {  	s9 =	simm.s32 $0xF880;
	v3 =	vadd.s32 v1, v3  }
0x12a: {  	[hbm4b:s4+s2] =	stream.indirect_vreg.scatter [tilespmem:s9], [sflag:$0x1], $0x80, v4, vm0, $0xb8;
	[tilespmem:$0x18080] =	vst v63  }
0x12b: {  	s8 =	simm.s32 $0x10080  }
0x12c: {  	[hbm4b:s5+s2] =	stream.indirect_vreg.scatter [tilespmem:s8], [sflag:$0x1], $0x80, v4, vm0, $0xb8;
	[tilespmem:$0x18080] =	vst v63  }
0x12d: {  	s9 =	simm.s32 $0x10880  }
0x12e: {  	[hbm4b:s3+s2] =	stream.indirect_vreg.scatter [tilespmem:s9], [sflag:$0x1], $0x80, v3, vm0, $0xb8;
	[tilespmem:$0x18080] =	vst v63  }
0x12f: {  	s8 =	simm.s32 $0x11080  }
0x130: {  	[hbm4b:s4+s2] =	stream.indirect_vreg.scatter [tilespmem:s8], [sflag:$0x1], $0x80, v3, vm0, $0xb8;
	[tilespmem:$0x18080] =	vst v63  }
0x131: {  	s9 =	simm.s32 $0x11880  }
0x132: {  	[hbm4b:s5+s2] =	stream.indirect_vreg.scatter [tilespmem:s9], [sflag:$0x1], $0x80, v3, vm0, $0xb8;
	[tilespmem:$0x18080] =	vst v63  }
0x133: {  	v3 =	vld [tilespmem:$0x60];
	_ =	sdelay $0x4  }
0x134: {  	v62 =	vshrl.u32 v3, $0x3  }
0x135: {  	v4 =	vmul.u32 $0x30, v62  }
0x136: {  	v3 =	vand.u32 $0x7, v3  }
0x137: {  	v3 =	vor.u32 v3, v4  }
0x138: {  	v4 =	vperm.xlane v3, v0;
	_ =	sdelay $0x1  }
0x139: {  	v4 =	vadd.s32 v1, v4;
	_ =	sdelay $0x3  }
0x13a: {  	s8 =	simm.s32 $0x12080;
	v3 =	vperm.xlane v3, v2  }
0x13b: {  	[hbm4b:s3+s2] =	stream.indirect_vreg.scatter [tilespmem:s8], [sflag:$0x1], $0x80, v4, vm0, $0xb8;
	[tilespmem:$0x18080] =	vst v63  }
0x13c: {  	s9 =	simm.s32 $0x12880;
	v3 =	vadd.s32 v1, v3  }
0x13d: {  	[hbm4b:s4+s2] =	stream.indirect_vreg.scatter [tilespmem:s9], [sflag:$0x1], $0x80, v4, vm0, $0xb8;
	[tilespmem:$0x18080] =	vst v63  }
0x13e: {  	s8 =	simm.s32 $0x13080  }
0x13f: {  	[hbm4b:s5+s2] =	stream.indirect_vreg.scatter [tilespmem:s8], [sflag:$0x1], $0x80, v4, vm0, $0xb8;
	[tilespmem:$0x18080] =	vst v63  }
0x140: {  	s9 =	simm.s32 $0x13880  }
0x141: {  	[hbm4b:s3+s2] =	stream.indirect_vreg.scatter [tilespmem:s9], [sflag:$0x1], $0x80, v3, vm0, $0xb8;
	[tilespmem:$0x18080] =	vst v63  }
0x142: {  	s8 =	simm.s32 $0x14080  }
0x143: {  	[hbm4b:s4+s2] =	stream.indirect_vreg.scatter [tilespmem:s8], [sflag:$0x1], $0x80, v3, vm0, $0xb8;
	[tilespmem:$0x18080] =	vst v63  }
0x144: {  	s9 =	simm.s32 $0x14880  }
0x145: {  	[hbm4b:s5+s2] =	stream.indirect_vreg.scatter [tilespmem:s9], [sflag:$0x1], $0x80, v3, vm0, $0xb8;
	[tilespmem:$0x18080] =	vst v63  }
0x146: {  	v3 =	vld [tilespmem:$0x70];
	_ =	sdelay $0x4  }
0x147: {  	v63 =	vshrl.u32 v3, $0x3  }
0x148: {  	v4 =	vmul.u32 $0x30, v63  }
0x149: {  	v3 =	vand.u32 $0x7, v3  }
0x14a: {  	v3 =	vor.u32 v3, v4  }
0x14b: {  	v4 =	vperm.xlane v3, v0;
	_ =	sdelay $0x1  }
0x14c: {  	v4 =	vadd.s32 v1, v4;
	_ =	sdelay $0x3  }
0x14d: {  	s8 =	simm.s32 $0x15080;
	v3 =	vperm.xlane v3, v2  }
0x14e: {  	[hbm4b:s3+s2] =	stream.indirect_vreg.scatter [tilespmem:s8], [sflag:$0x1], $0x80, v4, vm0, $0xb8;
	[tilespmem:$0x18080] =	vst v63  }
0x14f: {  	s9 =	simm.s32 $0x15880;
	v3 =	vadd.s32 v1, v3  }
0x150: {  	[hbm4b:s4+s2] =	stream.indirect_vreg.scatter [tilespmem:s9], [sflag:$0x1], $0x80, v4, vm0, $0xb8;
	[tilespmem:$0x18080] =	vst v63  }
0x151: {  	s8 =	simm.s32 $0x16080  }
0x152: {  	[hbm4b:s5+s2] =	stream.indirect_vreg.scatter [tilespmem:s8], [sflag:$0x1], $0x80, v4, vm0, $0xb8;
	[tilespmem:$0x18080] =	vst v63  }
0x153: {  	s9 =	simm.s32 $0x16880  }
0x154: {  	[hbm4b:s3+s2] =	stream.indirect_vreg.scatter [tilespmem:s9], [sflag:$0x1], $0x80, v3, vm0, $0xb8;
	[tilespmem:$0x18080] =	vst v63  }
0x155: {  	p0 =	sne.s32 s6, $0x1;
	s8 =	simm.s32 $0x17080  }
0x156: {  	[hbm4b:s4+s2] =	stream.indirect_vreg.scatter [tilespmem:s8], [sflag:$0x1], $0x80, v3, vm0, $0xb8;
	[tilespmem:$0x18080] =	vst v63  }
.Ltmp0:
0x157: {  	s9 =	simm.s32 $0x17880;
	(pc) =	sbr.rel @p0 .LBB2_1-.Ltmp0, $4  }
0x158: {  	[hbm4b:s5+s2] =	stream.indirect_vreg.scatter [tilespmem:s9], [sflag:$0x1], $0x80, v3, vm0, $0xb8;
	[tilespmem:$0x18080] =	vst v63  }
0x159: {  	_ =	swait.ge [sflag:s1], $0x18000  }
0x15a: {  	[sflag:s1] =	ssyncset.done $0x0  }
0x15b: {  	s6 =	sadd.s32 $0xFFFFFFFF, s6;
	[sflag:s1] =	ssyncadd.s32 $0xFFFE8000  }
0x15c: {  	_ =	sfence.sel $0x180000  }
0x15d: {  	[bflag:$0x0] =	sbarrier.arrive $0xFFFF  }
0x15e: {  	_ =	strace $0x90000047  }
0x15f: {  	s0 =	stileid.u32;
	[bflag:$0x2] =	sbarrier.arrive $0xFFFF  }
0x160: {  	p0 =	sne.s32 s0, $0x0;
	s0 =	rddreg [dreg:$0x3]  }
0x161: {  	s0 =	sadd.s32 @!p0 $0x100000, s0  }
0x162: {  	[sflag:s0] =	ssyncadd.tile.s32 @!p0 $0x1;
	_ =	shalt  }
.Lfunc_end2:
_tile_overlayer_lowered:
.L_overlay_start_2:
0x163: {  	(tag) =	ssettag $0x2  }
0x164: {  	s0 =	rddreg [dreg:$0x0];
	s2 =	stileid.u32  }
0x165: {  	s1 =	rddreg [dreg:$0x1];
	p0 =	sne.s32 s2, $0x0  }
0x166: {  	s3 =	rddreg [dreg:$0x2];
	[bflag:$0x3] =	sbarrier.arrive $0xFFFF;
	s2 =	simm.s32 @!p0 $0x1C02  }
0x167: {  	[timem:s3], [sflag:s2] =	dma.local @!p0 [hbm:s0], s1  }
0x168: {  	s0 =	simm.s32 @!p0 $0x2  }
0x169: {  	_ =	swait.ge @!p0 [sflag:s0], s1  }
0x16a: {  	s1 =	ssub.s32 @!p0 $0x0, s1;
	[sflag:s0] =	ssyncset.done @!p0 $0x0  }
0x16b: {  	[sflag:s0] =	ssyncadd.s32 @!p0 s1  }
0x16c: {  	[bflag:$0x3] =	sbarrier.arrive $0xFFFF  }
0x16d: {  	_ =	shalt  }

</sc_bundles>
